<compile_context>
chip_gen: v7x
topology: tpu7x:2x2x1
jax: 0.10.2.dev20260603
libtpu: 0.0.44.dev20260713+nightly
codegen_flags: <defaults>
</compile_context>

<pallas_src>
import functools
import math

import jax
import jax.numpy as jnp
from jax import lax
from jax.experimental import pallas as pl
from jax.experimental.pallas import tpu as pltpu
from jax.experimental.pallas import tpu_sc as plsc

B, T, C = 2, 2048, 768
E, TOPK, SPAN, H = 8, 2, 64, 12
DH = C // H
S = T // SPAN
NSP = B * S
NTILE = NSP // 16


def _gating_body(x_ref, w1_ref, b1_ref, w2_ref, b2_ref, lg_ref):
    pooled = jnp.mean(x_ref[...], axis=1)
    g = lax.dot_general(pooled, w1_ref[...], (((1,), (1,)), ((), ())),
                        preferred_element_type=jnp.float32)
    g = jnp.maximum(g + b1_ref[...], 0.0)
    logits = lax.dot_general(g, w2_ref[...], (((1,), (1,)), ((), ())),
                             preferred_element_type=jnp.float32)
    logits = logits + b2_ref[...]
    lgT = logits.T
    for w in range(NTILE):
        lg_ref[w] = lgT[:, 16 * w:16 * w + 16]


def _sc_gate_body(lg_hbm, ti_hbm, sm_hbm, lg_v, ti_v, sm_v):
    wid = lax.axis_index("s") * 2 + lax.axis_index("c")

    @pl.when(wid < NTILE)
    def _():
        pltpu.sync_copy(lg_hbm.at[wid], lg_v)
        neg = jnp.full((16,), -jnp.inf, jnp.float32)
        m1 = neg
        m2 = neg
        i1 = jnp.zeros((16,), jnp.int32)
        i2 = jnp.zeros((16,), jnp.int32)
        for e in range(E):
            x = lg_v[e, :]
            ev = jnp.full((16,), e, jnp.int32)
            gt1 = x > m1
            gt2 = x > m2
            m2 = jnp.where(gt1, m1, jnp.where(gt2, x, m2))
            i2 = jnp.where(gt1, i1, jnp.where(gt2, ev, i2))
            m1 = jnp.where(gt1, x, m1)
            i1 = jnp.where(gt1, ev, i1)
        d = jnp.exp(m2 - m1)
        denom = 1.0 + d
        ti_v[0, :] = i1
        ti_v[1, :] = i2
        sm_v[0, :] = 1.0 / denom
        sm_v[1, :] = d / denom
        pltpu.sync_copy(ti_v, ti_hbm.at[wid])
        pltpu.sync_copy(sm_v, sm_hbm.at[wid])


P = 4


def _main_body(ti_ref, sm_ref, x_ref, wqkv_ref, out_ref):
    g = pl.program_id(0)
    dn = (((1,), (1,)), ((), ()))
    scale = 1.0 / math.sqrt(DH)
    for pi in range(P):
        span = g * P + pi
        w = span // 16
        j = span % 16
        t0 = ti_ref[w * 32 + j]
        t1 = ti_ref[w * 32 + 16 + j]
        s0 = sm_ref[w * 32 + j]
        s1 = sm_ref[w * 32 + 16 + j]
        x = x_ref[pi]

        a = lax.dot_general(x, wqkv_ref[t0], dn,
                            preferred_element_type=jnp.float32)
        bb = lax.dot_general(x, wqkv_ref[t1], dn,
                             preferred_element_type=jnp.float32)
        qkv = s0 * a + s1 * bb
        q = qkv[:, 0:C]
        k = qkv[:, C:2 * C]
        v = qkv[:, 2 * C:3 * C]
        qb = (q * scale).astype(jnp.bfloat16)
        kb = k.astype(jnp.bfloat16)
        vb = v.astype(jnp.bfloat16)
        G = 4
        for g0 in range(0, H, G):
            scores = jnp.concatenate(
                [lax.dot_general(qb[:, h * DH:(h + 1) * DH],
                                 kb[:, h * DH:(h + 1) * DH],
                                 (((1,), (1,)), ((), ())),
                                 preferred_element_type=jnp.float32)
                 for h in range(g0, g0 + G)], axis=1)
            s3 = scores.reshape(SPAN, G, SPAN)
            m = jnp.max(s3, axis=2, keepdims=True)
            p = jnp.exp(s3 - m)
            p = p / jnp.sum(p, axis=2, keepdims=True)
            pb = p.reshape(SPAN, G * SPAN).astype(jnp.bfloat16)
            for hi in range(G):
                h = g0 + hi
                lo = h * DH
                out_ref[pi, :, lo:lo + DH] = lax.dot_general(
                    pb[:, hi * SPAN:(hi + 1) * SPAN], vb[:, lo:lo + DH],
                    (((1,), (0,)), ((), ())),
                    preferred_element_type=jnp.float32)


def _sc_gate(logits_blk):
    return pl.kernel(
        _sc_gate_body,
        out_type=(
            jax.ShapeDtypeStruct((NTILE, TOPK, 16), jnp.int32),
            jax.ShapeDtypeStruct((NTILE, TOPK, 16), jnp.float32),
        ),
        mesh=plsc.VectorSubcoreMesh(core_axis_name="c", subcore_axis_name="s"),
        scratch_types=[
            pltpu.VMEM((E, 16), jnp.float32),
            pltpu.VMEM((TOPK, 16), jnp.int32),
            pltpu.VMEM((TOPK, 16), jnp.float32),
        ],
    )(logits_blk)


@jax.jit
def kernel(hidden_states, Wq, Wk, Wv, W1, b1, W2, b2):
    x = hidden_states.reshape(NSP, SPAN, C)

    logits_blk = pl.pallas_call(
        _gating_body,
        out_shape=jax.ShapeDtypeStruct((NTILE, E, 16), jnp.float32),
    )(x, W1, b1.reshape(1, 128), W2, b2.reshape(1, E))

    ti_blk, sm_blk = _sc_gate(logits_blk)

    xb = x.astype(jnp.bfloat16)
    wqkv = jnp.concatenate([Wq, Wk, Wv], axis=1).astype(jnp.bfloat16)
    out = pl.pallas_call(
        _main_body,
        grid_spec=pltpu.PrefetchScalarGridSpec(
            num_scalar_prefetch=2,
            grid=(NSP // P,),
            in_specs=[
                pl.BlockSpec((P, SPAN, C), lambda s, tir, smr: (s, 0, 0)),
                pl.BlockSpec((E, 3 * C, C), lambda s, tir, smr: (0, 0, 0)),
            ],
            out_specs=pl.BlockSpec((P, SPAN, C), lambda s, tir, smr: (s, 0, 0)),
        ),
        out_shape=jax.ShapeDtypeStruct((NSP, SPAN, C), jnp.float32),
        compiler_params=pltpu.CompilerParams(
            dimension_semantics=("arbitrary",),
            vmem_limit_bytes=100 * 1024 * 1024,
        ),
    )(ti_blk.reshape(NTILE * TOPK * 16), sm_blk.reshape(NTILE * TOPK * 16),
      xb, wqkv)

    return out.reshape(B, T, C)

# --- scband reference (transcript-rebuilt; emitter-appended) ---
"""Pipeline reference for scband-top-kmo-eattention-15204184227984 (READ-ONLY COPY).

The authoritative reference and input builder live on the scoring server;
editing this copy changes nothing except your own understanding.
"""

import jax, jax.numpy as jnp
import numpy as np

B, T, C = 2, 2048, 768
E, TOPK, SPAN, H = 8, 2, 64, 12
DH = C // H
S = T // SPAN  # 32 spans of exactly span_len (T divisible by span_len, full attention mask)


def setup_inputs(seed: int = 0) -> dict:
    key = jax.random.key(seed)
    ks = jax.random.split(key, 9)
    return {
        "hidden_states": jax.random.normal(ks[0], (B, T, C), dtype=jnp.float32),
        "Wq": jax.random.normal(ks[1], (E, C, C), dtype=jnp.float32) * 0.02,
        "Wk": jax.random.normal(ks[2], (E, C, C), dtype=jnp.float32) * 0.02,
        "Wv": jax.random.normal(ks[3], (E, C, C), dtype=jnp.float32) * 0.02,
        "W1": jax.random.normal(ks[4], (128, C), dtype=jnp.float32) * 0.02,
        "b1": jnp.zeros((128,), dtype=jnp.float32),
        "W2": jax.random.normal(ks[5], (E, 128), dtype=jnp.float32) * 0.02,
        "b2": jnp.zeros((E,), dtype=jnp.float32),
    }


def reference(hidden_states, Wq, Wk, Wv, W1, b1, W2, b2):
    # Split into equal spans (attention_mask=None -> all tokens valid, T % num_spans == 0)
    x = hidden_states.reshape(B, S, SPAN, C)
    # Span mean-pool for gating
    pooled = x.mean(axis=2)  # (B, S, C)
    g = jax.nn.relu(pooled @ W1.T + b1)
    logits = g @ W2.T + b2  # (B, S, E)
    # top-k gating: softmax over top-k logits scattered into full expert dim
    tv, ti = jax.lax.top_k(logits, TOPK)
    sm = jax.nn.softmax(tv, axis=-1)  # (B, S, TOPK)
    gw = (jax.nn.one_hot(ti, E, dtype=logits.dtype) * sm[..., None]).sum(axis=-2)  # (B, S, E)

    def combine(W):
        # per-expert linear (no bias): y = x @ W[e].T, then gate-weighted sum over experts
        proj = jnp.einsum('bslc,edc->besld', x, W)
        return jnp.einsum('bse,besld->bsld', gw, proj)

    Q = combine(Wq)
    K = combine(Wk)
    V = combine(Wv)

    def heads(A):
        return A.reshape(B, S, SPAN, H, DH).transpose(0, 1, 3, 2, 4)  # (B,S,H,L,DH)

    Qh, Kh, Vh = heads(Q), heads(K), heads(V)
    scores = jnp.einsum('bshld,bshmd->bshlm', Qh, Kh) / np.sqrt(DH).astype(np.float32)
    probs = jax.nn.softmax(scores, axis=-1)  # mask is all-true; dropout eval = identity
    ctx = jnp.einsum('bshlm,bshmd->bshld', probs, Vh)
    out = ctx.transpose(0, 1, 3, 2, 4).reshape(B, T, C)
    return out

if __name__ == "__main__":
    import jax
    _d = setup_inputs()
    print(jax.jit(kernel)(*tuple(_d.values())))

</pallas_src>

<mosaic_0001>
#map = affine_map<(d0, d1) -> (0, 0, 0)>
module attributes {stable_mosaic.version = 14 : i64} {
  func.func @_sc_gate_body(%arg0: i32, %arg1: i32, %arg2: memref<4x8x16xf32, #tpu.memory_space<hbm>>, %arg3: memref<4x2x16xi32, #tpu.memory_space<hbm>>, %arg4: memref<4x2x16xf32, #tpu.memory_space<hbm>>, %arg5: memref<8x16xf32, #tpu.memory_space<vmem>>, %arg6: memref<2x16xi32, #tpu.memory_space<vmem>>, %arg7: memref<2x16xf32, #tpu.memory_space<vmem>>) attributes {dimension_semantics = [#tpu.dimension_semantics<core_parallel>, #tpu.dimension_semantics<subcore_parallel>], iteration_bounds = array<i64: 2, 16>, scalar_prefetch = 0 : i64, scratch_operands = 3 : i64, tpu.core_type = #tpu.core_type<sc_vector_subcore>, window_params = [{transform_indices = #map}, {transform_indices = #map}, {transform_indices = #map}]} {
    %mul3A = arith.constant 2 : i32
    %mul3A_0 = arith.muli %arg1, %mul3A : i32
    %add3A = arith.addi %mul3A_0, %arg0 : i32
    %lt3A = arith.constant 4 : i32
    %lt3A_1 = arith.cmpi slt, %add3A, %lt3A : i32
    %convert_element_type3A = arith.extui %lt3A_1 : i1 to i32
    %cond3A = arith.constant 0 : i32
    %cond3A_2 = arith.cmpi ne, %convert_element_type3A, %cond3A : i32
    scf.if %cond3A_2 {
      "tpu.region"() ({
        %run_scoped3A = tpu.sem_alloc : memref<!tpu.dma_semaphore, #tpu.memory_space<semaphore_mem>>
        %dma_start3A = arith.constant 0 : i32
        %dma_start3A_154 = arith.constant 0 : i32
        %dma_start3A_155 = tpu.memref_slice %arg2[%add3A, %dma_start3A, %dma_start3A_154] : memref<4x8x16xf32, #tpu.memory_space<hbm>> -> memref<1x8x16xf32, #tpu.memory_space<hbm>>
        %dma_start3A_156 = tpu.memref_squeeze %dma_start3A_155 : memref<1x8x16xf32, #tpu.memory_space<hbm>> -> memref<8x16xf32, #tpu.memory_space<hbm>>
        %dma_start3A_157 = arith.constant 0 : i32
        %dma_start3A_158 = arith.constant 0 : i32
        %dma_start3A_159 = tpu.memref_slice %arg2[%add3A, %dma_start3A_157, %dma_start3A_158] : memref<4x8x16xf32, #tpu.memory_space<hbm>> -> memref<1x8x16xf32, #tpu.memory_space<hbm>>
        %dma_start3A_160 = tpu.memref_squeeze %dma_start3A_159 : memref<1x8x16xf32, #tpu.memory_space<hbm>> -> memref<8x16xf32, #tpu.memory_space<hbm>>
        tpu.enqueue_dma source(%dma_start3A_160 : memref<8x16xf32, #tpu.memory_space<hbm>>) target(%arg5 : memref<8x16xf32, #tpu.memory_space<vmem>>) target_semaphore(%run_scoped3A : memref<!tpu.dma_semaphore, #tpu.memory_space<semaphore_mem>>)
        %dma_wait3A = arith.constant 0 : i32
        %dma_wait3A_161 = arith.constant 0 : i32
        %dma_wait3A_162 = tpu.memref_slice %arg2[%add3A, %dma_wait3A, %dma_wait3A_161] : memref<4x8x16xf32, #tpu.memory_space<hbm>> -> memref<1x8x16xf32, #tpu.memory_space<hbm>>
        %dma_wait3A_163 = tpu.memref_squeeze %dma_wait3A_162 : memref<1x8x16xf32, #tpu.memory_space<hbm>> -> memref<8x16xf32, #tpu.memory_space<hbm>>
        %dma_wait3A_164 = arith.constant 0 : i32
        %dma_wait3A_165 = arith.constant 0 : i32
        %dma_wait3A_166 = tpu.memref_slice %arg2[%add3A, %dma_wait3A_164, %dma_wait3A_165] : memref<4x8x16xf32, #tpu.memory_space<hbm>> -> memref<1x8x16xf32, #tpu.memory_space<hbm>>
        %dma_wait3A_167 = tpu.memref_squeeze %dma_wait3A_166 : memref<1x8x16xf32, #tpu.memory_space<hbm>> -> memref<8x16xf32, #tpu.memory_space<hbm>>
        tpu.wait_dma2 semaphore(%run_scoped3A : memref<!tpu.dma_semaphore, #tpu.memory_space<semaphore_mem>>) src(%dma_wait3A_167 : memref<8x16xf32, #tpu.memory_space<hbm>>) dst(%arg5 : memref<8x16xf32, #tpu.memory_space<vmem>>)
        tpu.yield
      }) : () -> ()
      %broadcast_in_dim3A = arith.constant 0xFF800000 : f32
      %broadcast_in_dim3A_3 = vector.broadcast %broadcast_in_dim3A : f32 to vector<16xf32>
      %broadcast_in_dim3A_4 = arith.constant 0 : i32
      %broadcast_in_dim3A_5 = vector.broadcast %broadcast_in_dim3A_4 : i32 to vector<16xi32>
      %broadcast_in_dim3A_6 = arith.constant 0 : i32
      %broadcast_in_dim3A_7 = vector.broadcast %broadcast_in_dim3A_6 : i32 to vector<16xi32>
      %get3A = arith.constant 0 : i32
      %get3A_8 = arith.index_cast %get3A : i32 to index
      %get3A_9 = arith.constant 0 : index
      %get3A_10 = tpu.vector_load %arg5[%get3A_8, %get3A_9] {strides = array<i32>} : memref<8x16xf32, #tpu.memory_space<vmem>>, vector<1x16xf32>,
      %get3A_11 = vector.shape_cast %get3A_10 : vector<1x16xf32> to vector<16xf32>
      %broadcast_in_dim3A_12 = arith.constant 0 : i32
      %broadcast_in_dim3A_13 = vector.broadcast %broadcast_in_dim3A_12 : i32 to vector<16xi32>
      %gt3A = arith.cmpf ogt, %get3A_11, %broadcast_in_dim3A_3 : vector<16xf32>
      %gt3A_14 = arith.cmpf ogt, %get3A_11, %broadcast_in_dim3A_3 : vector<16xf32>
      %select_n3A = arith.select %gt3A_14, %get3A_11, %broadcast_in_dim3A_3 : vector<16xi1>, vector<16xf32>
      %select_n3A_15 = arith.select %gt3A, %broadcast_in_dim3A_3, %select_n3A : vector<16xi1>, vector<16xf32>
      %select_n3A_16 = arith.select %gt3A_14, %broadcast_in_dim3A_13, %broadcast_in_dim3A_7 : vector<16xi1>, vector<16xi32>
      %select_n3A_17 = arith.select %gt3A, %broadcast_in_dim3A_5, %select_n3A_16 : vector<16xi1>, vector<16xi32>
      %select_n3A_18 = arith.select %gt3A, %get3A_11, %broadcast_in_dim3A_3 : vector<16xi1>, vector<16xf32>
      %select_n3A_19 = arith.select %gt3A, %broadcast_in_dim3A_13, %broadcast_in_dim3A_5 : vector<16xi1>, vector<16xi32>
      %get3A_20 = arith.constant 1 : i32
      %get3A_21 = arith.index_cast %get3A_20 : i32 to index
      %get3A_22 = arith.constant 0 : index
      %get3A_23 = tpu.vector_load %arg5[%get3A_21, %get3A_22] {strides = array<i32>} : memref<8x16xf32, #tpu.memory_space<vmem>>, vector<1x16xf32>,
      %get3A_24 = vector.shape_cast %get3A_23 : vector<1x16xf32> to vector<16xf32>
      %broadcast_in_dim3A_25 = arith.constant 1 : i32
      %broadcast_in_dim3A_26 = vector.broadcast %broadcast_in_dim3A_25 : i32 to vector<16xi32>
      %gt3A_27 = arith.cmpf ogt, %get3A_24, %select_n3A_18 : vector<16xf32>
      %gt3A_28 = arith.cmpf ogt, %get3A_24, %select_n3A_15 : vector<16xf32>
      %select_n3A_29 = arith.select %gt3A_28, %get3A_24, %select_n3A_15 : vector<16xi1>, vector<16xf32>
      %select_n3A_30 = arith.select %gt3A_27, %select_n3A_18, %select_n3A_29 : vector<16xi1>, vector<16xf32>
      %select_n3A_31 = arith.select %gt3A_28, %broadcast_in_dim3A_26, %select_n3A_17 : vector<16xi1>, vector<16xi32>
      %select_n3A_32 = arith.select %gt3A_27, %select_n3A_19, %select_n3A_31 : vector<16xi1>, vector<16xi32>
      %select_n3A_33 = arith.select %gt3A_27, %get3A_24, %select_n3A_18 : vector<16xi1>, vector<16xf32>
      %select_n3A_34 = arith.select %gt3A_27, %broadcast_in_dim3A_26, %select_n3A_19 : vector<16xi1>, vector<16xi32>
      %get3A_35 = arith.constant 2 : i32
      %get3A_36 = arith.index_cast %get3A_35 : i32 to index
      %get3A_37 = arith.constant 0 : index
      %get3A_38 = tpu.vector_load %arg5[%get3A_36, %get3A_37] {strides = array<i32>} : memref<8x16xf32, #tpu.memory_space<vmem>>, vector<1x16xf32>,
      %get3A_39 = vector.shape_cast %get3A_38 : vector<1x16xf32> to vector<16xf32>
      %broadcast_in_dim3A_40 = arith.constant 2 : i32
      %broadcast_in_dim3A_41 = vector.broadcast %broadcast_in_dim3A_40 : i32 to vector<16xi32>
      %gt3A_42 = arith.cmpf ogt, %get3A_39, %select_n3A_33 : vector<16xf32>
      %gt3A_43 = arith.cmpf ogt, %get3A_39, %select_n3A_30 : vector<16xf32>
      %select_n3A_44 = arith.select %gt3A_43, %get3A_39, %select_n3A_30 : vector<16xi1>, vector<16xf32>
      %select_n3A_45 = arith.select %gt3A_42, %select_n3A_33, %select_n3A_44 : vector<16xi1>, vector<16xf32>
      %select_n3A_46 = arith.select %gt3A_43, %broadcast_in_dim3A_41, %select_n3A_32 : vector<16xi1>, vector<16xi32>
      %select_n3A_47 = arith.select %gt3A_42, %select_n3A_34, %select_n3A_46 : vector<16xi1>, vector<16xi32>
      %select_n3A_48 = arith.select %gt3A_42, %get3A_39, %select_n3A_33 : vector<16xi1>, vector<16xf32>
      %select_n3A_49 = arith.select %gt3A_42, %broadcast_in_dim3A_41, %select_n3A_34 : vector<16xi1>, vector<16xi32>
      %get3A_50 = arith.constant 3 : i32
      %get3A_51 = arith.index_cast %get3A_50 : i32 to index
      %get3A_52 = arith.constant 0 : index
      %get3A_53 = tpu.vector_load %arg5[%get3A_51, %get3A_52] {strides = array<i32>} : memref<8x16xf32, #tpu.memory_space<vmem>>, vector<1x16xf32>,
      %get3A_54 = vector.shape_cast %get3A_53 : vector<1x16xf32> to vector<16xf32>
      %broadcast_in_dim3A_55 = arith.constant 3 : i32
      %broadcast_in_dim3A_56 = vector.broadcast %broadcast_in_dim3A_55 : i32 to vector<16xi32>
      %gt3A_57 = arith.cmpf ogt, %get3A_54, %select_n3A_48 : vector<16xf32>
      %gt3A_58 = arith.cmpf ogt, %get3A_54, %select_n3A_45 : vector<16xf32>
      %select_n3A_59 = arith.select %gt3A_58, %get3A_54, %select_n3A_45 : vector<16xi1>, vector<16xf32>
      %select_n3A_60 = arith.select %gt3A_57, %select_n3A_48, %select_n3A_59 : vector<16xi1>, vector<16xf32>
      %select_n3A_61 = arith.select %gt3A_58, %broadcast_in_dim3A_56, %select_n3A_47 : vector<16xi1>, vector<16xi32>
      %select_n3A_62 = arith.select %gt3A_57, %select_n3A_49, %select_n3A_61 : vector<16xi1>, vector<16xi32>
      %select_n3A_63 = arith.select %gt3A_57, %get3A_54, %select_n3A_48 : vector<16xi1>, vector<16xf32>
      %select_n3A_64 = arith.select %gt3A_57, %broadcast_in_dim3A_56, %select_n3A_49 : vector<16xi1>, vector<16xi32>
      %get3A_65 = arith.constant 4 : i32
      %get3A_66 = arith.index_cast %get3A_65 : i32 to index
      %get3A_67 = arith.constant 0 : index
      %get3A_68 = tpu.vector_load %arg5[%get3A_66, %get3A_67] {strides = array<i32>} : memref<8x16xf32, #tpu.memory_space<vmem>>, vector<1x16xf32>,
      %get3A_69 = vector.shape_cast %get3A_68 : vector<1x16xf32> to vector<16xf32>
      %broadcast_in_dim3A_70 = arith.constant 4 : i32
      %broadcast_in_dim3A_71 = vector.broadcast %broadcast_in_dim3A_70 : i32 to vector<16xi32>
      %gt3A_72 = arith.cmpf ogt, %get3A_69, %select_n3A_63 : vector<16xf32>
      %gt3A_73 = arith.cmpf ogt, %get3A_69, %select_n3A_60 : vector<16xf32>
      %select_n3A_74 = arith.select %gt3A_73, %get3A_69, %select_n3A_60 : vector<16xi1>, vector<16xf32>
      %select_n3A_75 = arith.select %gt3A_72, %select_n3A_63, %select_n3A_74 : vector<16xi1>, vector<16xf32>
      %select_n3A_76 = arith.select %gt3A_73, %broadcast_in_dim3A_71, %select_n3A_62 : vector<16xi1>, vector<16xi32>
      %select_n3A_77 = arith.select %gt3A_72, %select_n3A_64, %select_n3A_76 : vector<16xi1>, vector<16xi32>
      %select_n3A_78 = arith.select %gt3A_72, %get3A_69, %select_n3A_63 : vector<16xi1>, vector<16xf32>
      %select_n3A_79 = arith.select %gt3A_72, %broadcast_in_dim3A_71, %select_n3A_64 : vector<16xi1>, vector<16xi32>
      %get3A_80 = arith.constant 5 : i32
      %get3A_81 = arith.index_cast %get3A_80 : i32 to index
      %get3A_82 = arith.constant 0 : index
      %get3A_83 = tpu.vector_load %arg5[%get3A_81, %get3A_82] {strides = array<i32>} : memref<8x16xf32, #tpu.memory_space<vmem>>, vector<1x16xf32>,
      %get3A_84 = vector.shape_cast %get3A_83 : vector<1x16xf32> to vector<16xf32>
      %broadcast_in_dim3A_85 = arith.constant 5 : i32
      %broadcast_in_dim3A_86 = vector.broadcast %broadcast_in_dim3A_85 : i32 to vector<16xi32>
      %gt3A_87 = arith.cmpf ogt, %get3A_84, %select_n3A_78 : vector<16xf32>
      %gt3A_88 = arith.cmpf ogt, %get3A_84, %select_n3A_75 : vector<16xf32>
      %select_n3A_89 = arith.select %gt3A_88, %get3A_84, %select_n3A_75 : vector<16xi1>, vector<16xf32>
      %select_n3A_90 = arith.select %gt3A_87, %select_n3A_78, %select_n3A_89 : vector<16xi1>, vector<16xf32>
      %select_n3A_91 = arith.select %gt3A_88, %broadcast_in_dim3A_86, %select_n3A_77 : vector<16xi1>, vector<16xi32>
      %select_n3A_92 = arith.select %gt3A_87, %select_n3A_79, %select_n3A_91 : vector<16xi1>, vector<16xi32>
      %select_n3A_93 = arith.select %gt3A_87, %get3A_84, %select_n3A_78 : vector<16xi1>, vector<16xf32>
      %select_n3A_94 = arith.select %gt3A_87, %broadcast_in_dim3A_86, %select_n3A_79 : vector<16xi1>, vector<16xi32>
      %get3A_95 = arith.constant 6 : i32
      %get3A_96 = arith.index_cast %get3A_95 : i32 to index
      %get3A_97 = arith.constant 0 : index
      %get3A_98 = tpu.vector_load %arg5[%get3A_96, %get3A_97] {strides = array<i32>} : memref<8x16xf32, #tpu.memory_space<vmem>>, vector<1x16xf32>,
      %get3A_99 = vector.shape_cast %get3A_98 : vector<1x16xf32> to vector<16xf32>
      %broadcast_in_dim3A_100 = arith.constant 6 : i32
      %broadcast_in_dim3A_101 = vector.broadcast %broadcast_in_dim3A_100 : i32 to vector<16xi32>
      %gt3A_102 = arith.cmpf ogt, %get3A_99, %select_n3A_93 : vector<16xf32>
      %gt3A_103 = arith.cmpf ogt, %get3A_99, %select_n3A_90 : vector<16xf32>
      %select_n3A_104 = arith.select %gt3A_103, %get3A_99, %select_n3A_90 : vector<16xi1>, vector<16xf32>
      %select_n3A_105 = arith.select %gt3A_102, %select_n3A_93, %select_n3A_104 : vector<16xi1>, vector<16xf32>
      %select_n3A_106 = arith.select %gt3A_103, %broadcast_in_dim3A_101, %select_n3A_92 : vector<16xi1>, vector<16xi32>
      %select_n3A_107 = arith.select %gt3A_102, %select_n3A_94, %select_n3A_106 : vector<16xi1>, vector<16xi32>
      %select_n3A_108 = arith.select %gt3A_102, %get3A_99, %select_n3A_93 : vector<16xi1>, vector<16xf32>
      %select_n3A_109 = arith.select %gt3A_102, %broadcast_in_dim3A_101, %select_n3A_94 : vector<16xi1>, vector<16xi32>
      %get3A_110 = arith.constant 7 : i32
      %get3A_111 = arith.index_cast %get3A_110 : i32 to index
      %get3A_112 = arith.constant 0 : index
      %get3A_113 = tpu.vector_load %arg5[%get3A_111, %get3A_112] {strides = array<i32>} : memref<8x16xf32, #tpu.memory_space<vmem>>, vector<1x16xf32>,
      %get3A_114 = vector.shape_cast %get3A_113 : vector<1x16xf32> to vector<16xf32>
      %broadcast_in_dim3A_115 = arith.constant 7 : i32
      %broadcast_in_dim3A_116 = vector.broadcast %broadcast_in_dim3A_115 : i32 to vector<16xi32>
      %gt3A_117 = arith.cmpf ogt, %get3A_114, %select_n3A_108 : vector<16xf32>
      %gt3A_118 = arith.cmpf ogt, %get3A_114, %select_n3A_105 : vector<16xf32>
      %select_n3A_119 = arith.select %gt3A_118, %get3A_114, %select_n3A_105 : vector<16xi1>, vector<16xf32>
      %select_n3A_120 = arith.select %gt3A_117, %select_n3A_108, %select_n3A_119 : vector<16xi1>, vector<16xf32>
      %select_n3A_121 = arith.select %gt3A_118, %broadcast_in_dim3A_116, %select_n3A_107 : vector<16xi1>, vector<16xi32>
      %select_n3A_122 = arith.select %gt3A_117, %select_n3A_109, %select_n3A_121 : vector<16xi1>, vector<16xi32>
      %select_n3A_123 = arith.select %gt3A_117, %get3A_114, %select_n3A_108 : vector<16xi1>, vector<16xf32>
      %select_n3A_124 = arith.select %gt3A_117, %broadcast_in_dim3A_116, %select_n3A_109 : vector<16xi1>, vector<16xi32>
      %sub3A = arith.subf %select_n3A_120, %select_n3A_123 : vector<16xf32>
      %exp3A = math.exp %sub3A : vector<16xf32>
      %add3A_125 = arith.constant 1.000000e+00 : f32
      %add3A_126 = vector.broadcast %add3A_125 : f32 to vector<16xf32>
      %add3A_127 = arith.addf %add3A_126, %exp3A : vector<16xf32>
      %swap3A = arith.constant 0 : i32
      %swap3A_128 = arith.index_cast %swap3A : i32 to index
      %swap3A_129 = arith.constant 0 : index
      %swap3A_130 = tpu.vector_load %arg6[%swap3A_128, %swap3A_129] {strides = array<i32>} : memref<2x16xi32, #tpu.memory_space<vmem>>, vector<1x16xi32>,
      %swap3A_131 = vector.shape_cast %swap3A_130 : vector<1x16xi32> to vector<16xi32>
      %swap3A_132 = vector.shape_cast %select_n3A_124 : vector<16xi32> to vector<1x16xi32>
      tpu.vector_store %arg6[%swap3A_128, %swap3A_129], %swap3A_132 {strides = array<i32>} : memref<2x16xi32, #tpu.memory_space<vmem>>, vector<1x16xi32>,
      %swap3A_133 = arith.constant 1 : i32
      %swap3A_134 = arith.index_cast %swap3A_133 : i32 to index
      %swap3A_135 = arith.constant 0 : index
      %swap3A_136 = tpu.vector_load %arg6[%swap3A_134, %swap3A_135] {strides = array<i32>} : memref<2x16xi32, #tpu.memory_space<vmem>>, vector<1x16xi32>,
      %swap3A_137 = vector.shape_cast %swap3A_136 : vector<1x16xi32> to vector<16xi32>
      %swap3A_138 = vector.shape_cast %select_n3A_122 : vector<16xi32> to vector<1x16xi32>
      tpu.vector_store %arg6[%swap3A_134, %swap3A_135], %swap3A_138 {strides = array<i32>} : memref<2x16xi32, #tpu.memory_space<vmem>>, vector<1x16xi32>,
      %div3A = arith.constant 1.000000e+00 : f32
      %div3A_139 = vector.broadcast %div3A : f32 to vector<16xf32>
      %div3A_140 = arith.divf %div3A_139, %add3A_127 : vector<16xf32>
      %swap3A_141 = arith.constant 0 : i32
      %swap3A_142 = arith.index_cast %swap3A_141 : i32 to index
      %swap3A_143 = arith.constant 0 : index
      %swap3A_144 = tpu.vector_load %arg7[%swap3A_142, %swap3A_143] {strides = array<i32>} : memref<2x16xf32, #tpu.memory_space<vmem>>, vector<1x16xf32>,
      %swap3A_145 = vector.shape_cast %swap3A_144 : vector<1x16xf32> to vector<16xf32>
      %swap3A_146 = vector.shape_cast %div3A_140 : vector<16xf32> to vector<1x16xf32>
      tpu.vector_store %arg7[%swap3A_142, %swap3A_143], %swap3A_146 {strides = array<i32>} : memref<2x16xf32, #tpu.memory_space<vmem>>, vector<1x16xf32>,
      %div3A_147 = arith.divf %exp3A, %add3A_127 : vector<16xf32>
      %swap3A_148 = arith.constant 1 : i32
      %swap3A_149 = arith.index_cast %swap3A_148 : i32 to index
      %swap3A_150 = arith.constant 0 : index
      %swap3A_151 = tpu.vector_load %arg7[%swap3A_149, %swap3A_150] {strides = array<i32>} : memref<2x16xf32, #tpu.memory_space<vmem>>, vector<1x16xf32>,
      %swap3A_152 = vector.shape_cast %swap3A_151 : vector<1x16xf32> to vector<16xf32>
      %swap3A_153 = vector.shape_cast %div3A_147 : vector<16xf32> to vector<1x16xf32>
      tpu.vector_store %arg7[%swap3A_149, %swap3A_150], %swap3A_153 {strides = array<i32>} : memref<2x16xf32, #tpu.memory_space<vmem>>, vector<1x16xf32>,
      "tpu.region"() ({
        %run_scoped3A = tpu.sem_alloc : memref<!tpu.dma_semaphore, #tpu.memory_space<semaphore_mem>>
        %dma_start3A = arith.constant 0 : i32
        %dma_start3A_154 = arith.constant 0 : i32
        %dma_start3A_155 = tpu.memref_slice %arg3[%add3A, %dma_start3A, %dma_start3A_154] : memref<4x2x16xi32, #tpu.memory_space<hbm>> -> memref<1x2x16xi32, #tpu.memory_space<hbm>>
        %dma_start3A_156 = tpu.memref_squeeze %dma_start3A_155 : memref<1x2x16xi32, #tpu.memory_space<hbm>> -> memref<2x16xi32, #tpu.memory_space<hbm>>
        %dma_start3A_157 = arith.constant 0 : i32
        %dma_start3A_158 = arith.constant 0 : i32
        %dma_start3A_159 = tpu.memref_slice %arg3[%add3A, %dma_start3A_157, %dma_start3A_158] : memref<4x2x16xi32, #tpu.memory_space<hbm>> -> memref<1x2x16xi32, #tpu.memory_space<hbm>>
        %dma_start3A_160 = tpu.memref_squeeze %dma_start3A_159 : memref<1x2x16xi32, #tpu.memory_space<hbm>> -> memref<2x16xi32, #tpu.memory_space<hbm>>
        tpu.enqueue_dma source(%arg6 : memref<2x16xi32, #tpu.memory_space<vmem>>) target(%dma_start3A_160 : memref<2x16xi32, #tpu.memory_space<hbm>>) target_semaphore(%run_scoped3A : memref<!tpu.dma_semaphore, #tpu.memory_space<semaphore_mem>>)
        %dma_wait3A = arith.constant 0 : i32
        %dma_wait3A_161 = arith.constant 0 : i32
        %dma_wait3A_162 = tpu.memref_slice %arg3[%add3A, %dma_wait3A, %dma_wait3A_161] : memref<4x2x16xi32, #tpu.memory_space<hbm>> -> memref<1x2x16xi32, #tpu.memory_space<hbm>>
        %dma_wait3A_163 = tpu.memref_squeeze %dma_wait3A_162 : memref<1x2x16xi32, #tpu.memory_space<hbm>> -> memref<2x16xi32, #tpu.memory_space<hbm>>
        %dma_wait3A_164 = arith.constant 0 : i32
        %dma_wait3A_165 = arith.constant 0 : i32
        %dma_wait3A_166 = tpu.memref_slice %arg3[%add3A, %dma_wait3A_164, %dma_wait3A_165] : memref<4x2x16xi32, #tpu.memory_space<hbm>> -> memref<1x2x16xi32, #tpu.memory_space<hbm>>
        %dma_wait3A_167 = tpu.memref_squeeze %dma_wait3A_166 : memref<1x2x16xi32, #tpu.memory_space<hbm>> -> memref<2x16xi32, #tpu.memory_space<hbm>>
        tpu.wait_dma2 semaphore(%run_scoped3A : memref<!tpu.dma_semaphore, #tpu.memory_space<semaphore_mem>>) src(%arg6 : memref<2x16xi32, #tpu.memory_space<vmem>>) dst(%dma_wait3A_167 : memref<2x16xi32, #tpu.memory_space<hbm>>)
        tpu.yield
      }) : () -> ()
      "tpu.region"() ({
        %run_scoped3A = tpu.sem_alloc : memref<!tpu.dma_semaphore, #tpu.memory_space<semaphore_mem>>
        %dma_start3A = arith.constant 0 : i32
        %dma_start3A_154 = arith.constant 0 : i32
        %dma_start3A_155 = tpu.memref_slice %arg4[%add3A, %dma_start3A, %dma_start3A_154] : memref<4x2x16xf32, #tpu.memory_space<hbm>> -> memref<1x2x16xf32, #tpu.memory_space<hbm>>
        %dma_start3A_156 = tpu.memref_squeeze %dma_start3A_155 : memref<1x2x16xf32, #tpu.memory_space<hbm>> -> memref<2x16xf32, #tpu.memory_space<hbm>>
        %dma_start3A_157 = arith.constant 0 : i32
        %dma_start3A_158 = arith.constant 0 : i32
        %dma_start3A_159 = tpu.memref_slice %arg4[%add3A, %dma_start3A_157, %dma_start3A_158] : memref<4x2x16xf32, #tpu.memory_space<hbm>> -> memref<1x2x16xf32, #tpu.memory_space<hbm>>
        %dma_start3A_160 = tpu.memref_squeeze %dma_start3A_159 : memref<1x2x16xf32, #tpu.memory_space<hbm>> -> memref<2x16xf32, #tpu.memory_space<hbm>>
        tpu.enqueue_dma source(%arg7 : memref<2x16xf32, #tpu.memory_space<vmem>>) target(%dma_start3A_160 : memref<2x16xf32, #tpu.memory_space<hbm>>) target_semaphore(%run_scoped3A : memref<!tpu.dma_semaphore, #tpu.memory_space<semaphore_mem>>)
        %dma_wait3A = arith.constant 0 : i32
        %dma_wait3A_161 = arith.constant 0 : i32
        %dma_wait3A_162 = tpu.memref_slice %arg4[%add3A, %dma_wait3A, %dma_wait3A_161] : memref<4x2x16xf32, #tpu.memory_space<hbm>> -> memref<1x2x16xf32, #tpu.memory_space<hbm>>
        %dma_wait3A_163 = tpu.memref_squeeze %dma_wait3A_162 : memref<1x2x16xf32, #tpu.memory_space<hbm>> -> memref<2x16xf32, #tpu.memory_space<hbm>>
        %dma_wait3A_164 = arith.constant 0 : i32
        %dma_wait3A_165 = arith.constant 0 : i32
        %dma_wait3A_166 = tpu.memref_slice %arg4[%add3A, %dma_wait3A_164, %dma_wait3A_165] : memref<4x2x16xf32, #tpu.memory_space<hbm>> -> memref<1x2x16xf32, #tpu.memory_space<hbm>>
        %dma_wait3A_167 = tpu.memref_squeeze %dma_wait3A_166 : memref<1x2x16xf32, #tpu.memory_space<hbm>> -> memref<2x16xf32, #tpu.memory_space<hbm>>
        tpu.wait_dma2 semaphore(%run_scoped3A : memref<!tpu.dma_semaphore, #tpu.memory_space<semaphore_mem>>) src(%arg7 : memref<2x16xf32, #tpu.memory_space<vmem>>) dst(%dma_wait3A_167 : memref<2x16xf32, #tpu.memory_space<hbm>>)
        tpu.yield
      }) : () -> ()
    } else {
    }
    return
  }
}

module attributes {stable_mosaic.version = 14 : i64} {
  func.func @_gating_body(%arg0: memref<64x64x768xf32, #tpu.memory_space<vmem>>, %arg1: memref<128x768xf32, #tpu.memory_space<vmem>>, %arg2: memref<1x128xf32, #tpu.memory_space<vmem>>, %arg3: memref<8x128xf32, #tpu.memory_space<vmem>>, %arg4: memref<1x8xf32, #tpu.memory_space<vmem>>, %arg5: memref<4x8x16xf32, #tpu.memory_space<vmem>>) attributes {dimension_semantics = [], scalar_prefetch = 0 : i64, scratch_operands = 0 : i64, tpu.core_type = #tpu.core_type<tc>} {
    %get3A = arith.constant 0 : index
    %get3A_0 = arith.constant 0 : index
    %get3A_1 = arith.constant 0 : index
    %get3A_2 = vector.load %arg0[%get3A, %get3A_0, %get3A_1] : memref<64x64x768xf32, #tpu.memory_space<vmem>>, vector<64x64x768xf32>
    %reduce_sum3A = arith.constant dense<0.000000e+00> : vector<64x768xf32>
    %reduce_sum3A_3 = vector.multi_reduction <add>, %get3A_2, %reduce_sum3A [1] : vector<64x64x768xf32> to vector<64x768xf32>
    %div3A = arith.constant 6.400000e+01 : f32
    %div3A_4 = vector.broadcast %div3A : f32 to vector<64x768xf32>
    %div3A_5 = arith.divf %reduce_sum3A_3, %div3A_4 : vector<64x768xf32>
    %get3A_6 = arith.constant 0 : index
    %get3A_7 = arith.constant 0 : index
    %get3A_8 = vector.load %arg1[%get3A_6, %get3A_7] : memref<128x768xf32, #tpu.memory_space<vmem>>, vector<128x768xf32>
    %dot_general3A = arith.constant dense<0.000000e+00> : vector<64x128xf32>
    %dot_general3A_9 = tpu.matmul %div3A_5, %get3A_8, %dot_general3A {dimension_numbers = #tpu.dot_dimension_numbers<[1], [1], [0], [0], [0, 0, 1, 0], [], []>, transpose_lhs_hint = false} : vector<64x768xf32>, vector<128x768xf32>, vector<64x128xf32> -> vector<64x128xf32>
    %get3A_10 = arith.constant 0 : index
    %get3A_11 = arith.constant 0 : index
    %get3A_12 = vector.load %arg2[%get3A_10, %get3A_11] : memref<1x128xf32, #tpu.memory_space<vmem>>, vector<1x128xf32>
    %add3A = vector.broadcast %get3A_12 : vector<1x128xf32> to vector<64x128xf32>
    %add3A_13 = arith.addf %dot_general3A_9, %add3A : vector<64x128xf32>
    %max3A = arith.constant 0.000000e+00 : f32
    %max3A_14 = vector.broadcast %max3A : f32 to vector<64x128xf32>
    %max3A_15 = arith.maximumf %add3A_13, %max3A_14 : vector<64x128xf32>
    %get3A_16 = arith.constant 0 : index
    %get3A_17 = arith.constant 0 : index
    %get3A_18 = vector.load %arg3[%get3A_16, %get3A_17] : memref<8x128xf32, #tpu.memory_space<vmem>>, vector<8x128xf32>
    %dot_general3A_19 = arith.constant dense<0.000000e+00> : vector<64x8xf32>
    %dot_general3A_20 = tpu.matmul %max3A_15, %get3A_18, %dot_general3A_19 {dimension_numbers = #tpu.dot_dimension_numbers<[1], [1], [0], [0], [0, 0, 1, 0], [], []>, transpose_lhs_hint = false} : vector<64x128xf32>, vector<8x128xf32>, vector<64x8xf32> -> vector<64x8xf32>
    %get3A_21 = arith.constant 0 : index
    %get3A_22 = arith.constant 0 : index
    %get3A_23 = vector.load %arg4[%get3A_21, %get3A_22] : memref<1x8xf32, #tpu.memory_space<vmem>>, vector<1x8xf32>
    %add3A_24 = vector.broadcast %get3A_23 : vector<1x8xf32> to vector<64x8xf32>
    %add3A_25 = arith.addf %dot_general3A_20, %add3A_24 : vector<64x8xf32>
    %transpose3A = tpu.transpose %add3A_25, [1, 0] : vector<64x8xf32> -> vector<8x64xf32>
    %slice3A = vector.extract_strided_slice %transpose3A {offsets = [0, 0], sizes = [8, 16], strides = [1, 1]} : vector<8x64xf32> to vector<8x16xf32>
    %swap3A = arith.constant 0 : index
    %swap3A_26 = arith.constant 0 : index
    %swap3A_27 = arith.constant 0 : index
    %swap3A_28 = vector.load %arg5[%swap3A, %swap3A_26, %swap3A_27] : memref<4x8x16xf32, #tpu.memory_space<vmem>>, vector<1x8x16xf32>
    %swap3A_29 = vector.shape_cast %swap3A_28 : vector<1x8x16xf32> to vector<8x16xf32>
    %swap3A_30 = vector.shape_cast %slice3A : vector<8x16xf32> to vector<1x8x16xf32>
    tpu.vector_store %arg5[%swap3A, %swap3A_26, %swap3A_27], %swap3A_30 {strides = array<i32>} : memref<4x8x16xf32, #tpu.memory_space<vmem>>, vector<1x8x16xf32>,
    %slice3A_31 = vector.extract_strided_slice %transpose3A {offsets = [0, 16], sizes = [8, 16], strides = [1, 1]} : vector<8x64xf32> to vector<8x16xf32>
    %swap3A_32 = arith.constant 1 : index
    %swap3A_33 = arith.constant 0 : index
    %swap3A_34 = arith.constant 0 : index
    %swap3A_35 = vector.load %arg5[%swap3A_32, %swap3A_33, %swap3A_34] : memref<4x8x16xf32, #tpu.memory_space<vmem>>, vector<1x8x16xf32>
    %swap3A_36 = vector.shape_cast %swap3A_35 : vector<1x8x16xf32> to vector<8x16xf32>
    %swap3A_37 = vector.shape_cast %slice3A_31 : vector<8x16xf32> to vector<1x8x16xf32>
    tpu.vector_store %arg5[%swap3A_32, %swap3A_33, %swap3A_34], %swap3A_37 {strides = array<i32>} : memref<4x8x16xf32, #tpu.memory_space<vmem>>, vector<1x8x16xf32>,
    %slice3A_38 = vector.extract_strided_slice %transpose3A {offsets = [0, 32], sizes = [8, 16], strides = [1, 1]} : vector<8x64xf32> to vector<8x16xf32>
    %swap3A_39 = arith.constant 2 : index
    %swap3A_40 = arith.constant 0 : index
    %swap3A_41 = arith.constant 0 : index
    %swap3A_42 = vector.load %arg5[%swap3A_39, %swap3A_40, %swap3A_41] : memref<4x8x16xf32, #tpu.memory_space<vmem>>, vector<1x8x16xf32>
    %swap3A_43 = vector.shape_cast %swap3A_42 : vector<1x8x16xf32> to vector<8x16xf32>
    %swap3A_44 = vector.shape_cast %slice3A_38 : vector<8x16xf32> to vector<1x8x16xf32>
    tpu.vector_store %arg5[%swap3A_39, %swap3A_40, %swap3A_41], %swap3A_44 {strides = array<i32>} : memref<4x8x16xf32, #tpu.memory_space<vmem>>, vector<1x8x16xf32>,
    %slice3A_45 = vector.extract_strided_slice %transpose3A {offsets = [0, 48], sizes = [8, 16], strides = [1, 1]} : vector<8x64xf32> to vector<8x16xf32>
    %swap3A_46 = arith.constant 3 : index
    %swap3A_47 = arith.constant 0 : index
    %swap3A_48 = arith.constant 0 : index
    %swap3A_49 = vector.load %arg5[%swap3A_46, %swap3A_47, %swap3A_48] : memref<4x8x16xf32, #tpu.memory_space<vmem>>, vector<1x8x16xf32>
    %swap3A_50 = vector.shape_cast %swap3A_49 : vector<1x8x16xf32> to vector<8x16xf32>
    %swap3A_51 = vector.shape_cast %slice3A_45 : vector<8x16xf32> to vector<1x8x16xf32>
    tpu.vector_store %arg5[%swap3A_46, %swap3A_47, %swap3A_48], %swap3A_51 {strides = array<i32>} : memref<4x8x16xf32, #tpu.memory_space<vmem>>, vector<1x8x16xf32>,
    return
  }
}

module attributes {stable_mosaic.version = 14 : i64} {
  func.func @_main_body(%arg0: i32, %arg1: memref<128xi32, #tpu.memory_space<smem>>, %arg2: memref<128xf32, #tpu.memory_space<smem>>, %arg3: memref<4x64x768xbf16, #tpu.memory_space<vmem>>, %arg4: memref<8x2304x768xbf16, #tpu.memory_space<vmem>>, %arg5: memref<4x64x768xf32, #tpu.memory_space<vmem>>) attributes {dimension_semantics = [#tpu.dimension_semantics<arbitrary>], iteration_bounds = array<i64: 16>, scalar_prefetch = 2 : i64, scratch_operands = 0 : i64, tpu.core_type = #tpu.core_type<tc>, window_params = [{transform_indices = @transform_0, window_bounds = array<i64: 4, 64, 768>}, {pipeline_mode = #tpu.pipeline_mode<synchronous>, transform_indices = @transform_1, window_bounds = array<i64: 8, 2304, 768>}, {transform_indices = @transform_2, window_bounds = array<i64: 4, 64, 768>}]} {
    %mul3A = arith.constant 4 : i32
    %mul3A_0 = arith.muli %arg0, %mul3A : i32
    %add3A = arith.constant 0 : i32
    %add3A_1 = arith.addi %mul3A_0, %add3A : i32
    %jit3A = arith.constant 16 : i32
    %div3A = arith.divsi %add3A_1, %jit3A : i32
    %sign3A = arith.constant 0 : i32
    %sign3A_2 = arith.cmpi sgt, %add3A_1, %sign3A : i32
    %sign3A_3 = arith.extui %sign3A_2 : i1 to i32
    %sign3A_4 = arith.constant 0 : i32
    %sign3A_5 = arith.cmpi slt, %add3A_1, %sign3A_4 : i32
    %sign3A_6 = arith.extui %sign3A_5 : i1 to i32
    %sign3A_7 = arith.subi %sign3A_3, %sign3A_6 : i32
    %sign3A_8 = arith.constant 0 : i32
    %sign3A_9 = arith.cmpi sgt, %jit3A, %sign3A_8 : i32
    %sign3A_10 = arith.extui %sign3A_9 : i1 to i32
    %sign3A_11 = arith.constant 0 : i32
    %sign3A_12 = arith.cmpi slt, %jit3A, %sign3A_11 : i32
    %sign3A_13 = arith.extui %sign3A_12 : i1 to i32
    %sign3A_14 = arith.subi %sign3A_10, %sign3A_13 : i32
    %ne3A = arith.cmpi ne, %sign3A_7, %sign3A_14 : i32
    %rem3A = arith.remsi %add3A_1, %jit3A : i32
    %ne3A_15 = arith.constant 0 : i32
    %ne3A_16 = arith.cmpi ne, %rem3A, %ne3A_15 : i32
    %and3A = arith.andi %ne3A, %ne3A_16 : i1
    %sub3A = arith.constant 1 : i32
    %sub3A_17 = arith.subi %div3A, %sub3A : i32
    %select_n3A = arith.select %and3A, %sub3A_17, %div3A : i32
    %jit3A_18 = arith.constant 16 : i32
    %eq3A = arith.constant 0 : i32
    %eq3A_19 = arith.cmpi eq, %jit3A_18, %eq3A : i32
    %jit3A_20 = arith.constant 1 : i32
    %select_n3A_21 = arith.select %eq3A_19, %jit3A_20, %jit3A_18 : i32
    %rem3A_22 = arith.remsi %add3A_1, %select_n3A_21 : i32
    %ne3A_23 = arith.constant 0 : i32
    %ne3A_24 = arith.cmpi ne, %rem3A_22, %ne3A_23 : i32
    %lt3A = arith.constant 0 : i32
    %lt3A_25 = arith.cmpi slt, %rem3A_22, %lt3A : i32
    %lt3A_26 = arith.constant 0 : i32
    %lt3A_27 = arith.cmpi slt, %select_n3A_21, %lt3A_26 : i32
    %ne3A_28 = arith.xori %lt3A_25, %lt3A_27 : i1
    %and3A_29 = arith.andi %ne3A_28, %ne3A_24 : i1
    %add3A_30 = arith.addi %rem3A_22, %select_n3A_21 : i32
    %select_n3A_31 = arith.select %and3A_29, %add3A_30, %rem3A_22 : i32
    %mul3A_32 = arith.constant 32 : i32
    %mul3A_33 = arith.muli %select_n3A, %mul3A_32 : i32
    %add3A_34 = arith.addi %mul3A_33, %select_n3A_31 : i32
    %get3A = arith.index_cast %add3A_34 : i32 to index
    %get3A_35 = memref.load %arg1[%get3A] : memref<128xi32, #tpu.memory_space<smem>>
    %mul3A_36 = arith.constant 32 : i32
    %mul3A_37 = arith.muli %select_n3A, %mul3A_36 : i32
    %add3A_38 = arith.constant 16 : i32
    %add3A_39 = arith.addi %mul3A_37, %add3A_38 : i32
    %add3A_40 = arith.addi %add3A_39, %select_n3A_31 : i32
    %get3A_41 = arith.index_cast %add3A_40 : i32 to index
    %get3A_42 = memref.load %arg1[%get3A_41] : memref<128xi32, #tpu.memory_space<smem>>
    %mul3A_43 = arith.constant 32 : i32
    %mul3A_44 = arith.muli %select_n3A, %mul3A_43 : i32
    %add3A_45 = arith.addi %mul3A_44, %select_n3A_31 : i32
    %get3A_46 = arith.index_cast %add3A_45 : i32 to index
    %get3A_47 = memref.load %arg2[%get3A_46] : memref<128xf32, #tpu.memory_space<smem>>
    %mul3A_48 = arith.constant 32 : i32
    %mul3A_49 = arith.muli %select_n3A, %mul3A_48 : i32
    %add3A_50 = arith.constant 16 : i32
    %add3A_51 = arith.addi %mul3A_49, %add3A_50 : i32
    %add3A_52 = arith.addi %add3A_51, %select_n3A_31 : i32
    %get3A_53 = arith.index_cast %add3A_52 : i32 to index
    %get3A_54 = memref.load %arg2[%get3A_53] : memref<128xf32, #tpu.memory_space<smem>>
    %get3A_55 = arith.constant 0 : index
    %get3A_56 = arith.constant 0 : index
    %get3A_57 = arith.constant 0 : index
    %get3A_58 = vector.load %arg3[%get3A_55, %get3A_56, %get3A_57] : memref<4x64x768xbf16, #tpu.memory_space<vmem>>, vector<1x64x768xbf16>
    %get3A_59 = vector.shape_cast %get3A_58 : vector<1x64x768xbf16> to vector<64x768xbf16>
    %get3A_60 = arith.index_cast %get3A_35 : i32 to index
    %get3A_61 = arith.constant 0 : index
    %get3A_62 = arith.constant 0 : index
    %get3A_63 = vector.load %arg4[%get3A_60, %get3A_61, %get3A_62] : memref<8x2304x768xbf16, #tpu.memory_space<vmem>>, vector<1x2304x768xbf16>
    %get3A_64 = vector.shape_cast %get3A_63 : vector<1x2304x768xbf16> to vector<2304x768xbf16>
    %dot_general3A = arith.constant dense<0.000000e+00> : vector<64x2304xf32>
    %dot_general3A_65 = tpu.matmul %get3A_59, %get3A_64, %dot_general3A {dimension_numbers = #tpu.dot_dimension_numbers<[1], [1], [0], [0], [0, 0, 1, 0], [], []>, transpose_lhs_hint = false} : vector<64x768xbf16>, vector<2304x768xbf16>, vector<64x2304xf32> -> vector<64x2304xf32>
    %get3A_66 = arith.index_cast %get3A_42 : i32 to index
    %get3A_67 = arith.constant 0 : index
    %get3A_68 = arith.constant 0 : index
    %get3A_69 = vector.load %arg4[%get3A_66, %get3A_67, %get3A_68] : memref<8x2304x768xbf16, #tpu.memory_space<vmem>>, vector<1x2304x768xbf16>
    %get3A_70 = vector.shape_cast %get3A_69 : vector<1x2304x768xbf16> to vector<2304x768xbf16>
    %dot_general3A_71 = arith.constant dense<0.000000e+00> : vector<64x2304xf32>
    %dot_general3A_72 = tpu.matmul %get3A_59, %get3A_70, %dot_general3A_71 {dimension_numbers = #tpu.dot_dimension_numbers<[1], [1], [0], [0], [0, 0, 1, 0], [], []>, transpose_lhs_hint = false} : vector<64x768xbf16>, vector<2304x768xbf16>, vector<64x2304xf32> -> vector<64x2304xf32>
    %mul3A_73 = vector.broadcast %get3A_47 : f32 to vector<64x2304xf32>
    %mul3A_74 = arith.mulf %mul3A_73, %dot_general3A_65 : vector<64x2304xf32>
    %mul3A_75 = vector.broadcast %get3A_54 : f32 to vector<64x2304xf32>
    %mul3A_76 = arith.mulf %mul3A_75, %dot_general3A_72 : vector<64x2304xf32>
    %add3A_77 = arith.addf %mul3A_74, %mul3A_76 : vector<64x2304xf32>
    %slice3A = vector.extract_strided_slice %add3A_77 {offsets = [0, 0], sizes = [64, 768], strides = [1, 1]} : vector<64x2304xf32> to vector<64x768xf32>
    %slice3A_78 = vector.extract_strided_slice %add3A_77 {offsets = [0, 768], sizes = [64, 768], strides = [1, 1]} : vector<64x2304xf32> to vector<64x768xf32>
    %slice3A_79 = vector.extract_strided_slice %add3A_77 {offsets = [0, 1536], sizes = [64, 768], strides = [1, 1]} : vector<64x2304xf32> to vector<64x768xf32>
    %mul3A_80 = arith.constant 1.250000e-01 : f32
    %mul3A_81 = vector.broadcast %mul3A_80 : f32 to vector<64x768xf32>
    %mul3A_82 = arith.mulf %slice3A, %mul3A_81 : vector<64x768xf32>
    %convert_element_type3A = arith.truncf %mul3A_82 : vector<64x768xf32> to vector<64x768xbf16>
    %convert_element_type3A_83 = arith.truncf %slice3A_78 : vector<64x768xf32> to vector<64x768xbf16>
    %convert_element_type3A_84 = arith.truncf %slice3A_79 : vector<64x768xf32> to vector<64x768xbf16>
    %slice3A_85 = vector.extract_strided_slice %convert_element_type3A {offsets = [0, 0], sizes = [64, 64], strides = [1, 1]} : vector<64x768xbf16> to vector<64x64xbf16>
    %slice3A_86 = vector.extract_strided_slice %convert_element_type3A_83 {offsets = [0, 0], sizes = [64, 64], strides = [1, 1]} : vector<64x768xbf16> to vector<64x64xbf16>
    %dot_general3A_87 = arith.constant dense<0.000000e+00> : vector<64x64xf32>
    %dot_general3A_88 = tpu.matmul %slice3A_85, %slice3A_86, %dot_general3A_87 {dimension_numbers = #tpu.dot_dimension_numbers<[1], [1], [0], [0], [0, 0, 1, 0], [], []>, transpose_lhs_hint = false} : vector<64x64xbf16>, vector<64x64xbf16>, vector<64x64xf32> -> vector<64x64xf32>
    %slice3A_89 = vector.extract_strided_slice %convert_element_type3A {offsets = [0, 64], sizes = [64, 64], strides = [1, 1]} : vector<64x768xbf16> to vector<64x64xbf16>
    %slice3A_90 = vector.extract_strided_slice %convert_element_type3A_83 {offsets = [0, 64], sizes = [64, 64], strides = [1, 1]} : vector<64x768xbf16> to vector<64x64xbf16>
    %dot_general3A_91 = arith.constant dense<0.000000e+00> : vector<64x64xf32>
    %dot_general3A_92 = tpu.matmul %slice3A_89, %slice3A_90, %dot_general3A_91 {dimension_numbers = #tpu.dot_dimension_numbers<[1], [1], [0], [0], [0, 0, 1, 0], [], []>, transpose_lhs_hint = false} : vector<64x64xbf16>, vector<64x64xbf16>, vector<64x64xf32> -> vector<64x64xf32>
    %slice3A_93 = vector.extract_strided_slice %convert_element_type3A {offsets = [0, 128], sizes = [64, 64], strides = [1, 1]} : vector<64x768xbf16> to vector<64x64xbf16>
    %slice3A_94 = vector.extract_strided_slice %convert_element_type3A_83 {offsets = [0, 128], sizes = [64, 64], strides = [1, 1]} : vector<64x768xbf16> to vector<64x64xbf16>
    %dot_general3A_95 = arith.constant dense<0.000000e+00> : vector<64x64xf32>
    %dot_general3A_96 = tpu.matmul %slice3A_93, %slice3A_94, %dot_general3A_95 {dimension_numbers = #tpu.dot_dimension_numbers<[1], [1], [0], [0], [0, 0, 1, 0], [], []>, transpose_lhs_hint = false} : vector<64x64xbf16>, vector<64x64xbf16>, vector<64x64xf32> -> vector<64x64xf32>
    %slice3A_97 = vector.extract_strided_slice %convert_element_type3A {offsets = [0, 192], sizes = [64, 64], strides = [1, 1]} : vector<64x768xbf16> to vector<64x64xbf16>
    %slice3A_98 = vector.extract_strided_slice %convert_element_type3A_83 {offsets = [0, 192], sizes = [64, 64], strides = [1, 1]} : vector<64x768xbf16> to vector<64x64xbf16>
    %dot_general3A_99 = arith.constant dense<0.000000e+00> : vector<64x64xf32>
    %dot_general3A_100 = tpu.matmul %slice3A_97, %slice3A_98, %dot_general3A_99 {dimension_numbers = #tpu.dot_dimension_numbers<[1], [1], [0], [0], [0, 0, 1, 0], [], []>, transpose_lhs_hint = false} : vector<64x64xbf16>, vector<64x64xbf16>, vector<64x64xf32> -> vector<64x64xf32>
    %concatenate3A = tpu.concatenate %dot_general3A_88, %dot_general3A_92, %dot_general3A_96, %dot_general3A_100 in 1 : vector<64x64xf32>, vector<64x64xf32>, vector<64x64xf32>, vector<64x64xf32> -> vector<64x256xf32>
    %reshape3A = vector.shape_cast %concatenate3A : vector<64x256xf32> to vector<64x4x64xf32>
    %reduce_max3A = arith.constant dense<0xFF800000> : vector<64x4xf32>
    %reduce_max3A_101 = vector.multi_reduction <maximumf>, %reshape3A, %reduce_max3A [2] : vector<64x4x64xf32> to vector<64x4xf32>
    %broadcast_in_dim3A = vector.shape_cast %reduce_max3A_101 : vector<64x4xf32> to vector<64x4x1xf32>
    %sub3A_102 = vector.broadcast %broadcast_in_dim3A : vector<64x4x1xf32> to vector<64x4x64xf32>
    %sub3A_103 = arith.subf %reshape3A, %sub3A_102 : vector<64x4x64xf32>
    %exp3A = math.exp %sub3A_103 : vector<64x4x64xf32>
    %reduce_sum3A = arith.constant dense<0.000000e+00> : vector<64x4xf32>
    %reduce_sum3A_104 = vector.multi_reduction <add>, %exp3A, %reduce_sum3A [2] : vector<64x4x64xf32> to vector<64x4xf32>
    %broadcast_in_dim3A_105 = vector.shape_cast %reduce_sum3A_104 : vector<64x4xf32> to vector<64x4x1xf32>
    %div3A_106 = vector.broadcast %broadcast_in_dim3A_105 : vector<64x4x1xf32> to vector<64x4x64xf32>
    %div3A_107 = arith.divf %exp3A, %div3A_106 : vector<64x4x64xf32>
    %reshape3A_108 = vector.shape_cast %div3A_107 : vector<64x4x64xf32> to vector<64x256xf32>
    %convert_element_type3A_109 = arith.truncf %reshape3A_108 : vector<64x256xf32> to vector<64x256xbf16>
    %slice3A_110 = vector.extract_strided_slice %convert_element_type3A_109 {offsets = [0, 0], sizes = [64, 64], strides = [1, 1]} : vector<64x256xbf16> to vector<64x64xbf16>
    %slice3A_111 = vector.extract_strided_slice %convert_element_type3A_84 {offsets = [0, 0], sizes = [64, 64], strides = [1, 1]} : vector<64x768xbf16> to vector<64x64xbf16>
    %dot_general3A_112 = arith.constant dense<0.000000e+00> : vector<64x64xf32>
    %dot_general3A_113 = tpu.matmul %slice3A_110, %slice3A_111, %dot_general3A_112 {dimension_numbers = #tpu.dot_dimension_numbers<[1], [0], [0], [1], [0, 0, 1, 1], [], []>, transpose_lhs_hint = false} : vector<64x64xbf16>, vector<64x64xbf16>, vector<64x64xf32> -> vector<64x64xf32>
    %swap3A = arith.constant 0 : index
    %swap3A_114 = arith.constant 0 : index
    %swap3A_115 = arith.constant 0 : index
    %swap3A_116 = vector.load %arg5[%swap3A, %swap3A_114, %swap3A_115] : memref<4x64x768xf32, #tpu.memory_space<vmem>>, vector<1x64x64xf32>
    %swap3A_117 = vector.shape_cast %swap3A_116 : vector<1x64x64xf32> to vector<64x64xf32>
    %swap3A_118 = vector.shape_cast %dot_general3A_113 : vector<64x64xf32> to vector<1x64x64xf32>
    tpu.vector_store %arg5[%swap3A, %swap3A_114, %swap3A_115], %swap3A_118 {strides = array<i32>} : memref<4x64x768xf32, #tpu.memory_space<vmem>>, vector<1x64x64xf32>,
    %slice3A_119 = vector.extract_strided_slice %convert_element_type3A_109 {offsets = [0, 64], sizes = [64, 64], strides = [1, 1]} : vector<64x256xbf16> to vector<64x64xbf16>
    %slice3A_120 = vector.extract_strided_slice %convert_element_type3A_84 {offsets = [0, 64], sizes = [64, 64], strides = [1, 1]} : vector<64x768xbf16> to vector<64x64xbf16>
    %dot_general3A_121 = arith.constant dense<0.000000e+00> : vector<64x64xf32>
    %dot_general3A_122 = tpu.matmul %slice3A_119, %slice3A_120, %dot_general3A_121 {dimension_numbers = #tpu.dot_dimension_numbers<[1], [0], [0], [1], [0, 0, 1, 1], [], []>, transpose_lhs_hint = false} : vector<64x64xbf16>, vector<64x64xbf16>, vector<64x64xf32> -> vector<64x64xf32>
    %swap3A_123 = arith.constant 0 : index
    %swap3A_124 = arith.constant 0 : index
    %swap3A_125 = arith.constant 64 : index
    %swap3A_126 = vector.load %arg5[%swap3A_123, %swap3A_124, %swap3A_125] : memref<4x64x768xf32, #tpu.memory_space<vmem>>, vector<1x64x64xf32>
    %swap3A_127 = vector.shape_cast %swap3A_126 : vector<1x64x64xf32> to vector<64x64xf32>
    %swap3A_128 = vector.shape_cast %dot_general3A_122 : vector<64x64xf32> to vector<1x64x64xf32>
    tpu.vector_store %arg5[%swap3A_123, %swap3A_124, %swap3A_125], %swap3A_128 {strides = array<i32>} : memref<4x64x768xf32, #tpu.memory_space<vmem>>, vector<1x64x64xf32>,
    %slice3A_129 = vector.extract_strided_slice %convert_element_type3A_109 {offsets = [0, 128], sizes = [64, 64], strides = [1, 1]} : vector<64x256xbf16> to vector<64x64xbf16>
    %slice3A_130 = vector.extract_strided_slice %convert_element_type3A_84 {offsets = [0, 128], sizes = [64, 64], strides = [1, 1]} : vector<64x768xbf16> to vector<64x64xbf16>
    %dot_general3A_131 = arith.constant dense<0.000000e+00> : vector<64x64xf32>
    %dot_general3A_132 = tpu.matmul %slice3A_129, %slice3A_130, %dot_general3A_131 {dimension_numbers = #tpu.dot_dimension_numbers<[1], [0], [0], [1], [0, 0, 1, 1], [], []>, transpose_lhs_hint = false} : vector<64x64xbf16>, vector<64x64xbf16>, vector<64x64xf32> -> vector<64x64xf32>
    %swap3A_133 = arith.constant 0 : index
    %swap3A_134 = arith.constant 0 : index
    %swap3A_135 = arith.constant 128 : index
    %swap3A_136 = vector.load %arg5[%swap3A_133, %swap3A_134, %swap3A_135] : memref<4x64x768xf32, #tpu.memory_space<vmem>>, vector<1x64x64xf32>
    %swap3A_137 = vector.shape_cast %swap3A_136 : vector<1x64x64xf32> to vector<64x64xf32>
    %swap3A_138 = vector.shape_cast %dot_general3A_132 : vector<64x64xf32> to vector<1x64x64xf32>
    tpu.vector_store %arg5[%swap3A_133, %swap3A_134, %swap3A_135], %swap3A_138 {strides = array<i32>} : memref<4x64x768xf32, #tpu.memory_space<vmem>>, vector<1x64x64xf32>,
    %slice3A_139 = vector.extract_strided_slice %convert_element_type3A_109 {offsets = [0, 192], sizes = [64, 64], strides = [1, 1]} : vector<64x256xbf16> to vector<64x64xbf16>
    %slice3A_140 = vector.extract_strided_slice %convert_element_type3A_84 {offsets = [0, 192], sizes = [64, 64], strides = [1, 1]} : vector<64x768xbf16> to vector<64x64xbf16>
    %dot_general3A_141 = arith.constant dense<0.000000e+00> : vector<64x64xf32>
    %dot_general3A_142 = tpu.matmul %slice3A_139, %slice3A_140, %dot_general3A_141 {dimension_numbers = #tpu.dot_dimension_numbers<[1], [0], [0], [1], [0, 0, 1, 1], [], []>, transpose_lhs_hint = false} : vector<64x64xbf16>, vector<64x64xbf16>, vector<64x64xf32> -> vector<64x64xf32>
    %swap3A_143 = arith.constant 0 : index
    %swap3A_144 = arith.constant 0 : index
    %swap3A_145 = arith.constant 192 : index
    %swap3A_146 = vector.load %arg5[%swap3A_143, %swap3A_144, %swap3A_145] : memref<4x64x768xf32, #tpu.memory_space<vmem>>, vector<1x64x64xf32>
    %swap3A_147 = vector.shape_cast %swap3A_146 : vector<1x64x64xf32> to vector<64x64xf32>
    %swap3A_148 = vector.shape_cast %dot_general3A_142 : vector<64x64xf32> to vector<1x64x64xf32>
    tpu.vector_store %arg5[%swap3A_143, %swap3A_144, %swap3A_145], %swap3A_148 {strides = array<i32>} : memref<4x64x768xf32, #tpu.memory_space<vmem>>, vector<1x64x64xf32>,
    %slice3A_149 = vector.extract_strided_slice %convert_element_type3A {offsets = [0, 256], sizes = [64, 64], strides = [1, 1]} : vector<64x768xbf16> to vector<64x64xbf16>
    %slice3A_150 = vector.extract_strided_slice %convert_element_type3A_83 {offsets = [0, 256], sizes = [64, 64], strides = [1, 1]} : vector<64x768xbf16> to vector<64x64xbf16>
    %dot_general3A_151 = arith.constant dense<0.000000e+00> : vector<64x64xf32>
    %dot_general3A_152 = tpu.matmul %slice3A_149, %slice3A_150, %dot_general3A_151 {dimension_numbers = #tpu.dot_dimension_numbers<[1], [1], [0], [0], [0, 0, 1, 0], [], []>, transpose_lhs_hint = false} : vector<64x64xbf16>, vector<64x64xbf16>, vector<64x64xf32> -> vector<64x64xf32>
    %slice3A_153 = vector.extract_strided_slice %convert_element_type3A {offsets = [0, 320], sizes = [64, 64], strides = [1, 1]} : vector<64x768xbf16> to vector<64x64xbf16>
    %slice3A_154 = vector.extract_strided_slice %convert_element_type3A_83 {offsets = [0, 320], sizes = [64, 64], strides = [1, 1]} : vector<64x768xbf16> to vector<64x64xbf16>
    %dot_general3A_155 = arith.constant dense<0.000000e+00> : vector<64x64xf32>
    %dot_general3A_156 = tpu.matmul %slice3A_153, %slice3A_154, %dot_general3A_155 {dimension_numbers = #tpu.dot_dimension_numbers<[1], [1], [0], [0], [0, 0, 1, 0], [], []>, transpose_lhs_hint = false} : vector<64x64xbf16>, vector<64x64xbf16>, vector<64x64xf32> -> vector<64x64xf32>
    %slice3A_157 = vector.extract_strided_slice %convert_element_type3A {offsets = [0, 384], sizes = [64, 64], strides = [1, 1]} : vector<64x768xbf16> to vector<64x64xbf16>
    %slice3A_158 = vector.extract_strided_slice %convert_element_type3A_83 {offsets = [0, 384], sizes = [64, 64], strides = [1, 1]} : vector<64x768xbf16> to vector<64x64xbf16>
    %dot_general3A_159 = arith.constant dense<0.000000e+00> : vector<64x64xf32>
    %dot_general3A_160 = tpu.matmul %slice3A_157, %slice3A_158, %dot_general3A_159 {dimension_numbers = #tpu.dot_dimension_numbers<[1], [1], [0], [0], [0, 0, 1, 0], [], []>, transpose_lhs_hint = false} : vector<64x64xbf16>, vector<64x64xbf16>, vector<64x64xf32> -> vector<64x64xf32>
    %slice3A_161 = vector.extract_strided_slice %convert_element_type3A {offsets = [0, 448], sizes = [64, 64], strides = [1, 1]} : vector<64x768xbf16> to vector<64x64xbf16>
    %slice3A_162 = vector.extract_strided_slice %convert_element_type3A_83 {offsets = [0, 448], sizes = [64, 64], strides = [1, 1]} : vector<64x768xbf16> to vector<64x64xbf16>
    %dot_general3A_163 = arith.constant dense<0.000000e+00> : vector<64x64xf32>
    %dot_general3A_164 = tpu.matmul %slice3A_161, %slice3A_162, %dot_general3A_163 {dimension_numbers = #tpu.dot_dimension_numbers<[1], [1], [0], [0], [0, 0, 1, 0], [], []>, transpose_lhs_hint = false} : vector<64x64xbf16>, vector<64x64xbf16>, vector<64x64xf32> -> vector<64x64xf32>
    %concatenate3A_165 = tpu.concatenate %dot_general3A_152, %dot_general3A_156, %dot_general3A_160, %dot_general3A_164 in 1 : vector<64x64xf32>, vector<64x64xf32>, vector<64x64xf32>, vector<64x64xf32> -> vector<64x256xf32>
    %reshape3A_166 = vector.shape_cast %concatenate3A_165 : vector<64x256xf32> to vector<64x4x64xf32>
    %reduce_max3A_167 = arith.constant dense<0xFF800000> : vector<64x4xf32>
    %reduce_max3A_168 = vector.multi_reduction <maximumf>, %reshape3A_166, %reduce_max3A_167 [2] : vector<64x4x64xf32> to vector<64x4xf32>
    %broadcast_in_dim3A_169 = vector.shape_cast %reduce_max3A_168 : vector<64x4xf32> to vector<64x4x1xf32>
    %sub3A_170 = vector.broadcast %broadcast_in_dim3A_169 : vector<64x4x1xf32> to vector<64x4x64xf32>
    %sub3A_171 = arith.subf %reshape3A_166, %sub3A_170 : vector<64x4x64xf32>
    %exp3A_172 = math.exp %sub3A_171 : vector<64x4x64xf32>
    %reduce_sum3A_173 = arith.constant dense<0.000000e+00> : vector<64x4xf32>
    %reduce_sum3A_174 = vector.multi_reduction <add>, %exp3A_172, %reduce_sum3A_173 [2] : vector<64x4x64xf32> to vector<64x4xf32>
    %broadcast_in_dim3A_175 = vector.shape_cast %reduce_sum3A_174 : vector<64x4xf32> to vector<64x4x1xf32>
    %div3A_176 = vector.broadcast %broadcast_in_dim3A_175 : vector<64x4x1xf32> to vector<64x4x64xf32>
    %div3A_177 = arith.divf %exp3A_172, %div3A_176 : vector<64x4x64xf32>
    %reshape3A_178 = vector.shape_cast %div3A_177 : vector<64x4x64xf32> to vector<64x256xf32>
    %convert_element_type3A_179 = arith.truncf %reshape3A_178 : vector<64x256xf32> to vector<64x256xbf16>
    %slice3A_180 = vector.extract_strided_slice %convert_element_type3A_179 {offsets = [0, 0], sizes = [64, 64], strides = [1, 1]} : vector<64x256xbf16> to vector<64x64xbf16>
    %slice3A_181 = vector.extract_strided_slice %convert_element_type3A_84 {offsets = [0, 256], sizes = [64, 64], strides = [1, 1]} : vector<64x768xbf16> to vector<64x64xbf16>
    %dot_general3A_182 = arith.constant dense<0.000000e+00> : vector<64x64xf32>
    %dot_general3A_183 = tpu.matmul %slice3A_180, %slice3A_181, %dot_general3A_182 {dimension_numbers = #tpu.dot_dimension_numbers<[1], [0], [0], [1], [0, 0, 1, 1], [], []>, transpose_lhs_hint = false} : vector<64x64xbf16>, vector<64x64xbf16>, vector<64x64xf32> -> vector<64x64xf32>
    %swap3A_184 = arith.constant 0 : index
    %swap3A_185 = arith.constant 0 : index
    %swap3A_186 = arith.constant 256 : index
    %swap3A_187 = vector.load %arg5[%swap3A_184, %swap3A_185, %swap3A_186] : memref<4x64x768xf32, #tpu.memory_space<vmem>>, vector<1x64x64xf32>
    %swap3A_188 = vector.shape_cast %swap3A_187 : vector<1x64x64xf32> to vector<64x64xf32>
    %swap3A_189 = vector.shape_cast %dot_general3A_183 : vector<64x64xf32> to vector<1x64x64xf32>
    tpu.vector_store %arg5[%swap3A_184, %swap3A_185, %swap3A_186], %swap3A_189 {strides = array<i32>} : memref<4x64x768xf32, #tpu.memory_space<vmem>>, vector<1x64x64xf32>,
    %slice3A_190 = vector.extract_strided_slice %convert_element_type3A_179 {offsets = [0, 64], sizes = [64, 64], strides = [1, 1]} : vector<64x256xbf16> to vector<64x64xbf16>
    %slice3A_191 = vector.extract_strided_slice %convert_element_type3A_84 {offsets = [0, 320], sizes = [64, 64], strides = [1, 1]} : vector<64x768xbf16> to vector<64x64xbf16>
    %dot_general3A_192 = arith.constant dense<0.000000e+00> : vector<64x64xf32>
    %dot_general3A_193 = tpu.matmul %slice3A_190, %slice3A_191, %dot_general3A_192 {dimension_numbers = #tpu.dot_dimension_numbers<[1], [0], [0], [1], [0, 0, 1, 1], [], []>, transpose_lhs_hint = false} : vector<64x64xbf16>, vector<64x64xbf16>, vector<64x64xf32> -> vector<64x64xf32>
    %swap3A_194 = arith.constant 0 : index
    %swap3A_195 = arith.constant 0 : index
    %swap3A_196 = arith.constant 320 : index
    %swap3A_197 = vector.load %arg5[%swap3A_194, %swap3A_195, %swap3A_196] : memref<4x64x768xf32, #tpu.memory_space<vmem>>, vector<1x64x64xf32>
    %swap3A_198 = vector.shape_cast %swap3A_197 : vector<1x64x64xf32> to vector<64x64xf32>
    %swap3A_199 = vector.shape_cast %dot_general3A_193 : vector<64x64xf32> to vector<1x64x64xf32>
    tpu.vector_store %arg5[%swap3A_194, %swap3A_195, %swap3A_196], %swap3A_199 {strides = array<i32>} : memref<4x64x768xf32, #tpu.memory_space<vmem>>, vector<1x64x64xf32>,
    %slice3A_200 = vector.extract_strided_slice %convert_element_type3A_179 {offsets = [0, 128], sizes = [64, 64], strides = [1, 1]} : vector<64x256xbf16> to vector<64x64xbf16>
    %slice3A_201 = vector.extract_strided_slice %convert_element_type3A_84 {offsets = [0, 384], sizes = [64, 64], strides = [1, 1]} : vector<64x768xbf16> to vector<64x64xbf16>
    %dot_general3A_202 = arith.constant dense<0.000000e+00> : vector<64x64xf32>
    %dot_general3A_203 = tpu.matmul %slice3A_200, %slice3A_201, %dot_general3A_202 {dimension_numbers = #tpu.dot_dimension_numbers<[1], [0], [0], [1], [0, 0, 1, 1], [], []>, transpose_lhs_hint = false} : vector<64x64xbf16>, vector<64x64xbf16>, vector<64x64xf32> -> vector<64x64xf32>
    %swap3A_204 = arith.constant 0 : index
    %swap3A_205 = arith.constant 0 : index
    %swap3A_206 = arith.constant 384 : index
    %swap3A_207 = vector.load %arg5[%swap3A_204, %swap3A_205, %swap3A_206] : memref<4x64x768xf32, #tpu.memory_space<vmem>>, vector<1x64x64xf32>
    %swap3A_208 = vector.shape_cast %swap3A_207 : vector<1x64x64xf32> to vector<64x64xf32>
    %swap3A_209 = vector.shape_cast %dot_general3A_203 : vector<64x64xf32> to vector<1x64x64xf32>
    tpu.vector_store %arg5[%swap3A_204, %swap3A_205, %swap3A_206], %swap3A_209 {strides = array<i32>} : memref<4x64x768xf32, #tpu.memory_space<vmem>>, vector<1x64x64xf32>,
    %slice3A_210 = vector.extract_strided_slice %convert_element_type3A_179 {offsets = [0, 192], sizes = [64, 64], strides = [1, 1]} : vector<64x256xbf16> to vector<64x64xbf16>
    %slice3A_211 = vector.extract_strided_slice %convert_element_type3A_84 {offsets = [0, 448], sizes = [64, 64], strides = [1, 1]} : vector<64x768xbf16> to vector<64x64xbf16>
    %dot_general3A_212 = arith.constant dense<0.000000e+00> : vector<64x64xf32>
    %dot_general3A_213 = tpu.matmul %slice3A_210, %slice3A_211, %dot_general3A_212 {dimension_numbers = #tpu.dot_dimension_numbers<[1], [0], [0], [1], [0, 0, 1, 1], [], []>, transpose_lhs_hint = false} : vector<64x64xbf16>, vector<64x64xbf16>, vector<64x64xf32> -> vector<64x64xf32>
    %swap3A_214 = arith.constant 0 : index
    %swap3A_215 = arith.constant 0 : index
    %swap3A_216 = arith.constant 448 : index
    %swap3A_217 = vector.load %arg5[%swap3A_214, %swap3A_215, %swap3A_216] : memref<4x64x768xf32, #tpu.memory_space<vmem>>, vector<1x64x64xf32>
    %swap3A_218 = vector.shape_cast %swap3A_217 : vector<1x64x64xf32> to vector<64x64xf32>
    %swap3A_219 = vector.shape_cast %dot_general3A_213 : vector<64x64xf32> to vector<1x64x64xf32>
    tpu.vector_store %arg5[%swap3A_214, %swap3A_215, %swap3A_216], %swap3A_219 {strides = array<i32>} : memref<4x64x768xf32, #tpu.memory_space<vmem>>, vector<1x64x64xf32>,
    %slice3A_220 = vector.extract_strided_slice %convert_element_type3A {offsets = [0, 512], sizes = [64, 64], strides = [1, 1]} : vector<64x768xbf16> to vector<64x64xbf16>
    %slice3A_221 = vector.extract_strided_slice %convert_element_type3A_83 {offsets = [0, 512], sizes = [64, 64], strides = [1, 1]} : vector<64x768xbf16> to vector<64x64xbf16>
    %dot_general3A_222 = arith.constant dense<0.000000e+00> : vector<64x64xf32>
    %dot_general3A_223 = tpu.matmul %slice3A_220, %slice3A_221, %dot_general3A_222 {dimension_numbers = #tpu.dot_dimension_numbers<[1], [1], [0], [0], [0, 0, 1, 0], [], []>, transpose_lhs_hint = false} : vector<64x64xbf16>, vector<64x64xbf16>, vector<64x64xf32> -> vector<64x64xf32>
    %slice3A_224 = vector.extract_strided_slice %convert_element_type3A {offsets = [0, 576], sizes = [64, 64], strides = [1, 1]} : vector<64x768xbf16> to vector<64x64xbf16>
    %slice3A_225 = vector.extract_strided_slice %convert_element_type3A_83 {offsets = [0, 576], sizes = [64, 64], strides = [1, 1]} : vector<64x768xbf16> to vector<64x64xbf16>
    %dot_general3A_226 = arith.constant dense<0.000000e+00> : vector<64x64xf32>
    %dot_general3A_227 = tpu.matmul %slice3A_224, %slice3A_225, %dot_general3A_226 {dimension_numbers = #tpu.dot_dimension_numbers<[1], [1], [0], [0], [0, 0, 1, 0], [], []>, transpose_lhs_hint = false} : vector<64x64xbf16>, vector<64x64xbf16>, vector<64x64xf32> -> vector<64x64xf32>
    %slice3A_228 = vector.extract_strided_slice %convert_element_type3A {offsets = [0, 640], sizes = [64, 64], strides = [1, 1]} : vector<64x768xbf16> to vector<64x64xbf16>
    %slice3A_229 = vector.extract_strided_slice %convert_element_type3A_83 {offsets = [0, 640], sizes = [64, 64], strides = [1, 1]} : vector<64x768xbf16> to vector<64x64xbf16>
    %dot_general3A_230 = arith.constant dense<0.000000e+00> : vector<64x64xf32>
    %dot_general3A_231 = tpu.matmul %slice3A_228, %slice3A_229, %dot_general3A_230 {dimension_numbers = #tpu.dot_dimension_numbers<[1], [1], [0], [0], [0, 0, 1, 0], [], []>, transpose_lhs_hint = false} : vector<64x64xbf16>, vector<64x64xbf16>, vector<64x64xf32> -> vector<64x64xf32>
    %slice3A_232 = vector.extract_strided_slice %convert_element_type3A {offsets = [0, 704], sizes = [64, 64], strides = [1, 1]} : vector<64x768xbf16> to vector<64x64xbf16>
    %slice3A_233 = vector.extract_strided_slice %convert_element_type3A_83 {offsets = [0, 704], sizes = [64, 64], strides = [1, 1]} : vector<64x768xbf16> to vector<64x64xbf16>
    %dot_general3A_234 = arith.constant dense<0.000000e+00> : vector<64x64xf32>
    %dot_general3A_235 = tpu.matmul %slice3A_232, %slice3A_233, %dot_general3A_234 {dimension_numbers = #tpu.dot_dimension_numbers<[1], [1], [0], [0], [0, 0, 1, 0], [], []>, transpose_lhs_hint = false} : vector<64x64xbf16>, vector<64x64xbf16>, vector<64x64xf32> -> vector<64x64xf32>
    %concatenate3A_236 = tpu.concatenate %dot_general3A_223, %dot_general3A_227, %dot_general3A_231, %dot_general3A_235 in 1 : vector<64x64xf32>, vector<64x64xf32>, vector<64x64xf32>, vector<64x64xf32> -> vector<64x256xf32>
    %reshape3A_237 = vector.shape_cast %concatenate3A_236 : vector<64x256xf32> to vector<64x4x64xf32>
    %reduce_max3A_238 = arith.constant dense<0xFF800000> : vector<64x4xf32>
    %reduce_max3A_239 = vector.multi_reduction <maximumf>, %reshape3A_237, %reduce_max3A_238 [2] : vector<64x4x64xf32> to vector<64x4xf32>
    %broadcast_in_dim3A_240 = vector.shape_cast %reduce_max3A_239 : vector<64x4xf32> to vector<64x4x1xf32>
    %sub3A_241 = vector.broadcast %broadcast_in_dim3A_240 : vector<64x4x1xf32> to vector<64x4x64xf32>
    %sub3A_242 = arith.subf %reshape3A_237, %sub3A_241 : vector<64x4x64xf32>
    %exp3A_243 = math.exp %sub3A_242 : vector<64x4x64xf32>
    %reduce_sum3A_244 = arith.constant dense<0.000000e+00> : vector<64x4xf32>
    %reduce_sum3A_245 = vector.multi_reduction <add>, %exp3A_243, %reduce_sum3A_244 [2] : vector<64x4x64xf32> to vector<64x4xf32>
    %broadcast_in_dim3A_246 = vector.shape_cast %reduce_sum3A_245 : vector<64x4xf32> to vector<64x4x1xf32>
    %div3A_247 = vector.broadcast %broadcast_in_dim3A_246 : vector<64x4x1xf32> to vector<64x4x64xf32>
    %div3A_248 = arith.divf %exp3A_243, %div3A_247 : vector<64x4x64xf32>
    %reshape3A_249 = vector.shape_cast %div3A_248 : vector<64x4x64xf32> to vector<64x256xf32>
    %convert_element_type3A_250 = arith.truncf %reshape3A_249 : vector<64x256xf32> to vector<64x256xbf16>
    %slice3A_251 = vector.extract_strided_slice %convert_element_type3A_250 {offsets = [0, 0], sizes = [64, 64], strides = [1, 1]} : vector<64x256xbf16> to vector<64x64xbf16>
    %slice3A_252 = vector.extract_strided_slice %convert_element_type3A_84 {offsets = [0, 512], sizes = [64, 64], strides = [1, 1]} : vector<64x768xbf16> to vector<64x64xbf16>
    %dot_general3A_253 = arith.constant dense<0.000000e+00> : vector<64x64xf32>
    %dot_general3A_254 = tpu.matmul %slice3A_251, %slice3A_252, %dot_general3A_253 {dimension_numbers = #tpu.dot_dimension_numbers<[1], [0], [0], [1], [0, 0, 1, 1], [], []>, transpose_lhs_hint = false} : vector<64x64xbf16>, vector<64x64xbf16>, vector<64x64xf32> -> vector<64x64xf32>
    %swap3A_255 = arith.constant 0 : index
    %swap3A_256 = arith.constant 0 : index
    %swap3A_257 = arith.constant 512 : index
    %swap3A_258 = vector.load %arg5[%swap3A_255, %swap3A_256, %swap3A_257] : memref<4x64x768xf32, #tpu.memory_space<vmem>>, vector<1x64x64xf32>
    %swap3A_259 = vector.shape_cast %swap3A_258 : vector<1x64x64xf32> to vector<64x64xf32>
    %swap3A_260 = vector.shape_cast %dot_general3A_254 : vector<64x64xf32> to vector<1x64x64xf32>
    tpu.vector_store %arg5[%swap3A_255, %swap3A_256, %swap3A_257], %swap3A_260 {strides = array<i32>} : memref<4x64x768xf32, #tpu.memory_space<vmem>>, vector<1x64x64xf32>,
    %slice3A_261 = vector.extract_strided_slice %convert_element_type3A_250 {offsets = [0, 64], sizes = [64, 64], strides = [1, 1]} : vector<64x256xbf16> to vector<64x64xbf16>
    %slice3A_262 = vector.extract_strided_slice %convert_element_type3A_84 {offsets = [0, 576], sizes = [64, 64], strides = [1, 1]} : vector<64x768xbf16> to vector<64x64xbf16>
    %dot_general3A_263 = arith.constant dense<0.000000e+00> : vector<64x64xf32>
    %dot_general3A_264 = tpu.matmul %slice3A_261, %slice3A_262, %dot_general3A_263 {dimension_numbers = #tpu.dot_dimension_numbers<[1], [0], [0], [1], [0, 0, 1, 1], [], []>, transpose_lhs_hint = false} : vector<64x64xbf16>, vector<64x64xbf16>, vector<64x64xf32> -> vector<64x64xf32>
    %swap3A_265 = arith.constant 0 : index
    %swap3A_266 = arith.constant 0 : index
    %swap3A_267 = arith.constant 576 : index
    %swap3A_268 = vector.load %arg5[%swap3A_265, %swap3A_266, %swap3A_267] : memref<4x64x768xf32, #tpu.memory_space<vmem>>, vector<1x64x64xf32>
    %swap3A_269 = vector.shape_cast %swap3A_268 : vector<1x64x64xf32> to vector<64x64xf32>
    %swap3A_270 = vector.shape_cast %dot_general3A_264 : vector<64x64xf32> to vector<1x64x64xf32>
    tpu.vector_store %arg5[%swap3A_265, %swap3A_266, %swap3A_267], %swap3A_270 {strides = array<i32>} : memref<4x64x768xf32, #tpu.memory_space<vmem>>, vector<1x64x64xf32>,
    %slice3A_271 = vector.extract_strided_slice %convert_element_type3A_250 {offsets = [0, 128], sizes = [64, 64], strides = [1, 1]} : vector<64x256xbf16> to vector<64x64xbf16>
    %slice3A_272 = vector.extract_strided_slice %convert_element_type3A_84 {offsets = [0, 640], sizes = [64, 64], strides = [1, 1]} : vector<64x768xbf16> to vector<64x64xbf16>
    %dot_general3A_273 = arith.constant dense<0.000000e+00> : vector<64x64xf32>
    %dot_general3A_274 = tpu.matmul %slice3A_271, %slice3A_272, %dot_general3A_273 {dimension_numbers = #tpu.dot_dimension_numbers<[1], [0], [0], [1], [0, 0, 1, 1], [], []>, transpose_lhs_hint = false} : vector<64x64xbf16>, vector<64x64xbf16>, vector<64x64xf32> -> vector<64x64xf32>
    %swap3A_275 = arith.constant 0 : index
    %swap3A_276 = arith.constant 0 : index
    %swap3A_277 = arith.constant 640 : index
    %swap3A_278 = vector.load %arg5[%swap3A_275, %swap3A_276, %swap3A_277] : memref<4x64x768xf32, #tpu.memory_space<vmem>>, vector<1x64x64xf32>
    %swap3A_279 = vector.shape_cast %swap3A_278 : vector<1x64x64xf32> to vector<64x64xf32>
    %swap3A_280 = vector.shape_cast %dot_general3A_274 : vector<64x64xf32> to vector<1x64x64xf32>
    tpu.vector_store %arg5[%swap3A_275, %swap3A_276, %swap3A_277], %swap3A_280 {strides = array<i32>} : memref<4x64x768xf32, #tpu.memory_space<vmem>>, vector<1x64x64xf32>,
    %slice3A_281 = vector.extract_strided_slice %convert_element_type3A_250 {offsets = [0, 192], sizes = [64, 64], strides = [1, 1]} : vector<64x256xbf16> to vector<64x64xbf16>
    %slice3A_282 = vector.extract_strided_slice %convert_element_type3A_84 {offsets = [0, 704], sizes = [64, 64], strides = [1, 1]} : vector<64x768xbf16> to vector<64x64xbf16>
    %dot_general3A_283 = arith.constant dense<0.000000e+00> : vector<64x64xf32>
    %dot_general3A_284 = tpu.matmul %slice3A_281, %slice3A_282, %dot_general3A_283 {dimension_numbers = #tpu.dot_dimension_numbers<[1], [0], [0], [1], [0, 0, 1, 1], [], []>, transpose_lhs_hint = false} : vector<64x64xbf16>, vector<64x64xbf16>, vector<64x64xf32> -> vector<64x64xf32>
    %swap3A_285 = arith.constant 0 : index
    %swap3A_286 = arith.constant 0 : index
    %swap3A_287 = arith.constant 704 : index
    %swap3A_288 = vector.load %arg5[%swap3A_285, %swap3A_286, %swap3A_287] : memref<4x64x768xf32, #tpu.memory_space<vmem>>, vector<1x64x64xf32>
    %swap3A_289 = vector.shape_cast %swap3A_288 : vector<1x64x64xf32> to vector<64x64xf32>
    %swap3A_290 = vector.shape_cast %dot_general3A_284 : vector<64x64xf32> to vector<1x64x64xf32>
    tpu.vector_store %arg5[%swap3A_285, %swap3A_286, %swap3A_287], %swap3A_290 {strides = array<i32>} : memref<4x64x768xf32, #tpu.memory_space<vmem>>, vector<1x64x64xf32>,
    %mul3A_291 = arith.constant 4 : i32
    %mul3A_292 = arith.muli %arg0, %mul3A_291 : i32
    %add3A_293 = arith.constant 1 : i32
    %add3A_294 = arith.addi %mul3A_292, %add3A_293 : i32
    %jit3A_295 = arith.constant 16 : i32
    %div3A_296 = arith.divsi %add3A_294, %jit3A_295 : i32
    %sign3A_297 = arith.constant 0 : i32
    %sign3A_298 = arith.cmpi sgt, %add3A_294, %sign3A_297 : i32
    %sign3A_299 = arith.extui %sign3A_298 : i1 to i32
    %sign3A_300 = arith.constant 0 : i32
    %sign3A_301 = arith.cmpi slt, %add3A_294, %sign3A_300 : i32
    %sign3A_302 = arith.extui %sign3A_301 : i1 to i32
    %sign3A_303 = arith.subi %sign3A_299, %sign3A_302 : i32
    %sign3A_304 = arith.constant 0 : i32
    %sign3A_305 = arith.cmpi sgt, %jit3A_295, %sign3A_304 : i32
    %sign3A_306 = arith.extui %sign3A_305 : i1 to i32
    %sign3A_307 = arith.constant 0 : i32
    %sign3A_308 = arith.cmpi slt, %jit3A_295, %sign3A_307 : i32
    %sign3A_309 = arith.extui %sign3A_308 : i1 to i32
    %sign3A_310 = arith.subi %sign3A_306, %sign3A_309 : i32
    %ne3A_311 = arith.cmpi ne, %sign3A_303, %sign3A_310 : i32
    %rem3A_312 = arith.remsi %add3A_294, %jit3A_295 : i32
    %ne3A_313 = arith.constant 0 : i32
    %ne3A_314 = arith.cmpi ne, %rem3A_312, %ne3A_313 : i32
    %and3A_315 = arith.andi %ne3A_311, %ne3A_314 : i1
    %sub3A_316 = arith.constant 1 : i32
    %sub3A_317 = arith.subi %div3A_296, %sub3A_316 : i32
    %select_n3A_318 = arith.select %and3A_315, %sub3A_317, %div3A_296 : i32
    %jit3A_319 = arith.constant 16 : i32
    %eq3A_320 = arith.constant 0 : i32
    %eq3A_321 = arith.cmpi eq, %jit3A_319, %eq3A_320 : i32
    %jit3A_322 = arith.constant 1 : i32
    %select_n3A_323 = arith.select %eq3A_321, %jit3A_322, %jit3A_319 : i32
    %rem3A_324 = arith.remsi %add3A_294, %select_n3A_323 : i32
    %ne3A_325 = arith.constant 0 : i32
    %ne3A_326 = arith.cmpi ne, %rem3A_324, %ne3A_325 : i32
    %lt3A_327 = arith.constant 0 : i32
    %lt3A_328 = arith.cmpi slt, %rem3A_324, %lt3A_327 : i32
    %lt3A_329 = arith.constant 0 : i32
    %lt3A_330 = arith.cmpi slt, %select_n3A_323, %lt3A_329 : i32
    %ne3A_331 = arith.xori %lt3A_328, %lt3A_330 : i1
    %and3A_332 = arith.andi %ne3A_331, %ne3A_326 : i1
    %add3A_333 = arith.addi %rem3A_324, %select_n3A_323 : i32
    %select_n3A_334 = arith.select %and3A_332, %add3A_333, %rem3A_324 : i32
    %mul3A_335 = arith.constant 32 : i32
    %mul3A_336 = arith.muli %select_n3A_318, %mul3A_335 : i32
    %add3A_337 = arith.addi %mul3A_336, %select_n3A_334 : i32
    %get3A_338 = arith.index_cast %add3A_337 : i32 to index
    %get3A_339 = memref.load %arg1[%get3A_338] : memref<128xi32, #tpu.memory_space<smem>>
    %mul3A_340 = arith.constant 32 : i32
    %mul3A_341 = arith.muli %select_n3A_318, %mul3A_340 : i32
    %add3A_342 = arith.constant 16 : i32
    %add3A_343 = arith.addi %mul3A_341, %add3A_342 : i32
    %add3A_344 = arith.addi %add3A_343, %select_n3A_334 : i32
    %get3A_345 = arith.index_cast %add3A_344 : i32 to index
    %get3A_346 = memref.load %arg1[%get3A_345] : memref<128xi32, #tpu.memory_space<smem>>
    %mul3A_347 = arith.constant 32 : i32
    %mul3A_348 = arith.muli %select_n3A_318, %mul3A_347 : i32
    %add3A_349 = arith.addi %mul3A_348, %select_n3A_334 : i32
    %get3A_350 = arith.index_cast %add3A_349 : i32 to index
    %get3A_351 = memref.load %arg2[%get3A_350] : memref<128xf32, #tpu.memory_space<smem>>
    %mul3A_352 = arith.constant 32 : i32
    %mul3A_353 = arith.muli %select_n3A_318, %mul3A_352 : i32
    %add3A_354 = arith.constant 16 : i32
    %add3A_355 = arith.addi %mul3A_353, %add3A_354 : i32
    %add3A_356 = arith.addi %add3A_355, %select_n3A_334 : i32
    %get3A_357 = arith.index_cast %add3A_356 : i32 to index
    %get3A_358 = memref.load %arg2[%get3A_357] : memref<128xf32, #tpu.memory_space<smem>>
    %get3A_359 = arith.constant 1 : index
    %get3A_360 = arith.constant 0 : index
    %get3A_361 = arith.constant 0 : index
    %get3A_362 = vector.load %arg3[%get3A_359, %get3A_360, %get3A_361] : memref<4x64x768xbf16, #tpu.memory_space<vmem>>, vector<1x64x768xbf16>
    %get3A_363 = vector.shape_cast %get3A_362 : vector<1x64x768xbf16> to vector<64x768xbf16>
    %get3A_364 = arith.index_cast %get3A_339 : i32 to index
    %get3A_365 = arith.constant 0 : index
    %get3A_366 = arith.constant 0 : index
    %get3A_367 = vector.load %arg4[%get3A_364, %get3A_365, %get3A_366] : memref<8x2304x768xbf16, #tpu.memory_space<vmem>>, vector<1x2304x768xbf16>
    %get3A_368 = vector.shape_cast %get3A_367 : vector<1x2304x768xbf16> to vector<2304x768xbf16>
    %dot_general3A_369 = arith.constant dense<0.000000e+00> : vector<64x2304xf32>
    %dot_general3A_370 = tpu.matmul %get3A_363, %get3A_368, %dot_general3A_369 {dimension_numbers = #tpu.dot_dimension_numbers<[1], [1], [0], [0], [0, 0, 1, 0], [], []>, transpose_lhs_hint = false} : vector<64x768xbf16>, vector<2304x768xbf16>, vector<64x2304xf32> -> vector<64x2304xf32>
    %get3A_371 = arith.index_cast %get3A_346 : i32 to index
    %get3A_372 = arith.constant 0 : index
    %get3A_373 = arith.constant 0 : index
    %get3A_374 = vector.load %arg4[%get3A_371, %get3A_372, %get3A_373] : memref<8x2304x768xbf16, #tpu.memory_space<vmem>>, vector<1x2304x768xbf16>
    %get3A_375 = vector.shape_cast %get3A_374 : vector<1x2304x768xbf16> to vector<2304x768xbf16>
    %dot_general3A_376 = arith.constant dense<0.000000e+00> : vector<64x2304xf32>
    %dot_general3A_377 = tpu.matmul %get3A_363, %get3A_375, %dot_general3A_376 {dimension_numbers = #tpu.dot_dimension_numbers<[1], [1], [0], [0], [0, 0, 1, 0], [], []>, transpose_lhs_hint = false} : vector<64x768xbf16>, vector<2304x768xbf16>, vector<64x2304xf32> -> vector<64x2304xf32>
    %mul3A_378 = vector.broadcast %get3A_351 : f32 to vector<64x2304xf32>
    %mul3A_379 = arith.mulf %mul3A_378, %dot_general3A_370 : vector<64x2304xf32>
    %mul3A_380 = vector.broadcast %get3A_358 : f32 to vector<64x2304xf32>
    %mul3A_381 = arith.mulf %mul3A_380, %dot_general3A_377 : vector<64x2304xf32>
    %add3A_382 = arith.addf %mul3A_379, %mul3A_381 : vector<64x2304xf32>
    %slice3A_383 = vector.extract_strided_slice %add3A_382 {offsets = [0, 0], sizes = [64, 768], strides = [1, 1]} : vector<64x2304xf32> to vector<64x768xf32>
    %slice3A_384 = vector.extract_strided_slice %add3A_382 {offsets = [0, 768], sizes = [64, 768], strides = [1, 1]} : vector<64x2304xf32> to vector<64x768xf32>
    %slice3A_385 = vector.extract_strided_slice %add3A_382 {offsets = [0, 1536], sizes = [64, 768], strides = [1, 1]} : vector<64x2304xf32> to vector<64x768xf32>
    %mul3A_386 = arith.constant 1.250000e-01 : f32
    %mul3A_387 = vector.broadcast %mul3A_386 : f32 to vector<64x768xf32>
    %mul3A_388 = arith.mulf %slice3A_383, %mul3A_387 : vector<64x768xf32>
    %convert_element_type3A_389 = arith.truncf %mul3A_388 : vector<64x768xf32> to vector<64x768xbf16>
    %convert_element_type3A_390 = arith.truncf %slice3A_384 : vector<64x768xf32> to vector<64x768xbf16>
    %convert_element_type3A_391 = arith.truncf %slice3A_385 : vector<64x768xf32> to vector<64x768xbf16>
    %slice3A_392 = vector.extract_strided_slice %convert_element_type3A_389 {offsets = [0, 0], sizes = [64, 64], strides = [1, 1]} : vector<64x768xbf16> to vector<64x64xbf16>
    %slice3A_393 = vector.extract_strided_slice %convert_element_type3A_390 {offsets = [0, 0], sizes = [64, 64], strides = [1, 1]} : vector<64x768xbf16> to vector<64x64xbf16>
    %dot_general3A_394 = arith.constant dense<0.000000e+00> : vector<64x64xf32>
    %dot_general3A_395 = tpu.matmul %slice3A_392, %slice3A_393, %dot_general3A_394 {dimension_numbers = #tpu.dot_dimension_numbers<[1], [1], [0], [0], [0, 0, 1, 0], [], []>, transpose_lhs_hint = false} : vector<64x64xbf16>, vector<64x64xbf16>, vector<64x64xf32> -> vector<64x64xf32>
    %slice3A_396 = vector.extract_strided_slice %convert_element_type3A_389 {offsets = [0, 64], sizes = [64, 64], strides = [1, 1]} : vector<64x768xbf16> to vector<64x64xbf16>
    %slice3A_397 = vector.extract_strided_slice %convert_element_type3A_390 {offsets = [0, 64], sizes = [64, 64], strides = [1, 1]} : vector<64x768xbf16> to vector<64x64xbf16>
    %dot_general3A_398 = arith.constant dense<0.000000e+00> : vector<64x64xf32>
    %dot_general3A_399 = tpu.matmul %slice3A_396, %slice3A_397, %dot_general3A_398 {dimension_numbers = #tpu.dot_dimension_numbers<[1], [1], [0], [0], [0, 0, 1, 0], [], []>, transpose_lhs_hint = false} : vector<64x64xbf16>, vector<64x64xbf16>, vector<64x64xf32> -> vector<64x64xf32>
    %slice3A_400 = vector.extract_strided_slice %convert_element_type3A_389 {offsets = [0, 128], sizes = [64, 64], strides = [1, 1]} : vector<64x768xbf16> to vector<64x64xbf16>
    %slice3A_401 = vector.extract_strided_slice %convert_element_type3A_390 {offsets = [0, 128], sizes = [64, 64], strides = [1, 1]} : vector<64x768xbf16> to vector<64x64xbf16>
    %dot_general3A_402 = arith.constant dense<0.000000e+00> : vector<64x64xf32>
    %dot_general3A_403 = tpu.matmul %slice3A_400, %slice3A_401, %dot_general3A_402 {dimension_numbers = #tpu.dot_dimension_numbers<[1], [1], [0], [0], [0, 0, 1, 0], [], []>, transpose_lhs_hint = false} : vector<64x64xbf16>, vector<64x64xbf16>, vector<64x64xf32> -> vector<64x64xf32>
    %slice3A_404 = vector.extract_strided_slice %convert_element_type3A_389 {offsets = [0, 192], sizes = [64, 64], strides = [1, 1]} : vector<64x768xbf16> to vector<64x64xbf16>
    %slice3A_405 = vector.extract_strided_slice %convert_element_type3A_390 {offsets = [0, 192], sizes = [64, 64], strides = [1, 1]} : vector<64x768xbf16> to vector<64x64xbf16>
    %dot_general3A_406 = arith.constant dense<0.000000e+00> : vector<64x64xf32>
    %dot_general3A_407 = tpu.matmul %slice3A_404, %slice3A_405, %dot_general3A_406 {dimension_numbers = #tpu.dot_dimension_numbers<[1], [1], [0], [0], [0, 0, 1, 0], [], []>, transpose_lhs_hint = false} : vector<64x64xbf16>, vector<64x64xbf16>, vector<64x64xf32> -> vector<64x64xf32>
    %concatenate3A_408 = tpu.concatenate %dot_general3A_395, %dot_general3A_399, %dot_general3A_403, %dot_general3A_407 in 1 : vector<64x64xf32>, vector<64x64xf32>, vector<64x64xf32>, vector<64x64xf32> -> vector<64x256xf32>
    %reshape3A_409 = vector.shape_cast %concatenate3A_408 : vector<64x256xf32> to vector<64x4x64xf32>
    %reduce_max3A_410 = arith.constant dense<0xFF800000> : vector<64x4xf32>
    %reduce_max3A_411 = vector.multi_reduction <maximumf>, %reshape3A_409, %reduce_max3A_410 [2] : vector<64x4x64xf32> to vector<64x4xf32>
    %broadcast_in_dim3A_412 = vector.shape_cast %reduce_max3A_411 : vector<64x4xf32> to vector<64x4x1xf32>
    %sub3A_413 = vector.broadcast %broadcast_in_dim3A_412 : vector<64x4x1xf32> to vector<64x4x64xf32>
    %sub3A_414 = arith.subf %reshape3A_409, %sub3A_413 : vector<64x4x64xf32>
    %exp3A_415 = math.exp %sub3A_414 : vector<64x4x64xf32>
    %reduce_sum3A_416 = arith.constant dense<0.000000e+00> : vector<64x4xf32>
    %reduce_sum3A_417 = vector.multi_reduction <add>, %exp3A_415, %reduce_sum3A_416 [2] : vector<64x4x64xf32> to vector<64x4xf32>
    %broadcast_in_dim3A_418 = vector.shape_cast %reduce_sum3A_417 : vector<64x4xf32> to vector<64x4x1xf32>
    %div3A_419 = vector.broadcast %broadcast_in_dim3A_418 : vector<64x4x1xf32> to vector<64x4x64xf32>
    %div3A_420 = arith.divf %exp3A_415, %div3A_419 : vector<64x4x64xf32>
    %reshape3A_421 = vector.shape_cast %div3A_420 : vector<64x4x64xf32> to vector<64x256xf32>
    %convert_element_type3A_422 = arith.truncf %reshape3A_421 : vector<64x256xf32> to vector<64x256xbf16>
    %slice3A_423 = vector.extract_strided_slice %convert_element_type3A_422 {offsets = [0, 0], sizes = [64, 64], strides = [1, 1]} : vector<64x256xbf16> to vector<64x64xbf16>
    %slice3A_424 = vector.extract_strided_slice %convert_element_type3A_391 {offsets = [0, 0], sizes = [64, 64], strides = [1, 1]} : vector<64x768xbf16> to vector<64x64xbf16>
    %dot_general3A_425 = arith.constant dense<0.000000e+00> : vector<64x64xf32>
    %dot_general3A_426 = tpu.matmul %slice3A_423, %slice3A_424, %dot_general3A_425 {dimension_numbers = #tpu.dot_dimension_numbers<[1], [0], [0], [1], [0, 0, 1, 1], [], []>, transpose_lhs_hint = false} : vector<64x64xbf16>, vector<64x64xbf16>, vector<64x64xf32> -> vector<64x64xf32>
    %swap3A_427 = arith.constant 1 : index
    %swap3A_428 = arith.constant 0 : index
    %swap3A_429 = arith.constant 0 : index
    %swap3A_430 = vector.load %arg5[%swap3A_427, %swap3A_428, %swap3A_429] : memref<4x64x768xf32, #tpu.memory_space<vmem>>, vector<1x64x64xf32>
    %swap3A_431 = vector.shape_cast %swap3A_430 : vector<1x64x64xf32> to vector<64x64xf32>
    %swap3A_432 = vector.shape_cast %dot_general3A_426 : vector<64x64xf32> to vector<1x64x64xf32>
    tpu.vector_store %arg5[%swap3A_427, %swap3A_428, %swap3A_429], %swap3A_432 {strides = array<i32>} : memref<4x64x768xf32, #tpu.memory_space<vmem>>, vector<1x64x64xf32>,
    %slice3A_433 = vector.extract_strided_slice %convert_element_type3A_422 {offsets = [0, 64], sizes = [64, 64], strides = [1, 1]} : vector<64x256xbf16> to vector<64x64xbf16>
    %slice3A_434 = vector.extract_strided_slice %convert_element_type3A_391 {offsets = [0, 64], sizes = [64, 64], strides = [1, 1]} : vector<64x768xbf16> to vector<64x64xbf16>
    %dot_general3A_435 = arith.constant dense<0.000000e+00> : vector<64x64xf32>
    %dot_general3A_436 = tpu.matmul %slice3A_433, %slice3A_434, %dot_general3A_435 {dimension_numbers = #tpu.dot_dimension_numbers<[1], [0], [0], [1], [0, 0, 1, 1], [], []>, transpose_lhs_hint = false} : vector<64x64xbf16>, vector<64x64xbf16>, vector<64x64xf32> -> vector<64x64xf32>
    %swap3A_437 = arith.constant 1 : index
    %swap3A_438 = arith.constant 0 : index
    %swap3A_439 = arith.constant 64 : index
    %swap3A_440 = vector.load %arg5[%swap3A_437, %swap3A_438, %swap3A_439] : memref<4x64x768xf32, #tpu.memory_space<vmem>>, vector<1x64x64xf32>
    %swap3A_441 = vector.shape_cast %swap3A_440 : vector<1x64x64xf32> to vector<64x64xf32>
    %swap3A_442 = vector.shape_cast %dot_general3A_436 : vector<64x64xf32> to vector<1x64x64xf32>
    tpu.vector_store %arg5[%swap3A_437, %swap3A_438, %swap3A_439], %swap3A_442 {strides = array<i32>} : memref<4x64x768xf32, #tpu.memory_space<vmem>>, vector<1x64x64xf32>,
    %slice3A_443 = vector.extract_strided_slice %convert_element_type3A_422 {offsets = [0, 128], sizes = [64, 64], strides = [1, 1]} : vector<64x256xbf16> to vector<64x64xbf16>
    %slice3A_444 = vector.extract_strided_slice %convert_element_type3A_391 {offsets = [0, 128], sizes = [64, 64], strides = [1, 1]} : vector<64x768xbf16> to vector<64x64xbf16>
    %dot_general3A_445 = arith.constant dense<0.000000e+00> : vector<64x64xf32>
    %dot_general3A_446 = tpu.matmul %slice3A_443, %slice3A_444, %dot_general3A_445 {dimension_numbers = #tpu.dot_dimension_numbers<[1], [0], [0], [1], [0, 0, 1, 1], [], []>, transpose_lhs_hint = false} : vector<64x64xbf16>, vector<64x64xbf16>, vector<64x64xf32> -> vector<64x64xf32>
    %swap3A_447 = arith.constant 1 : index
    %swap3A_448 = arith.constant 0 : index
    %swap3A_449 = arith.constant 128 : index
    %swap3A_450 = vector.load %arg5[%swap3A_447, %swap3A_448, %swap3A_449] : memref<4x64x768xf32, #tpu.memory_space<vmem>>, vector<1x64x64xf32>
    %swap3A_451 = vector.shape_cast %swap3A_450 : vector<1x64x64xf32> to vector<64x64xf32>
    %swap3A_452 = vector.shape_cast %dot_general3A_446 : vector<64x64xf32> to vector<1x64x64xf32>
    tpu.vector_store %arg5[%swap3A_447, %swap3A_448, %swap3A_449], %swap3A_452 {strides = array<i32>} : memref<4x64x768xf32, #tpu.memory_space<vmem>>, vector<1x64x64xf32>,
    %slice3A_453 = vector.extract_strided_slice %convert_element_type3A_422 {offsets = [0, 192], sizes = [64, 64], strides = [1, 1]} : vector<64x256xbf16> to vector<64x64xbf16>
    %slice3A_454 = vector.extract_strided_slice %convert_element_type3A_391 {offsets = [0, 192], sizes = [64, 64], strides = [1, 1]} : vector<64x768xbf16> to vector<64x64xbf16>
    %dot_general3A_455 = arith.constant dense<0.000000e+00> : vector<64x64xf32>
    %dot_general3A_456 = tpu.matmul %slice3A_453, %slice3A_454, %dot_general3A_455 {dimension_numbers = #tpu.dot_dimension_numbers<[1], [0], [0], [1], [0, 0, 1, 1], [], []>, transpose_lhs_hint = false} : vector<64x64xbf16>, vector<64x64xbf16>, vector<64x64xf32> -> vector<64x64xf32>
    %swap3A_457 = arith.constant 1 : index
    %swap3A_458 = arith.constant 0 : index
    %swap3A_459 = arith.constant 192 : index
    %swap3A_460 = vector.load %arg5[%swap3A_457, %swap3A_458, %swap3A_459] : memref<4x64x768xf32, #tpu.memory_space<vmem>>, vector<1x64x64xf32>
    %swap3A_461 = vector.shape_cast %swap3A_460 : vector<1x64x64xf32> to vector<64x64xf32>
    %swap3A_462 = vector.shape_cast %dot_general3A_456 : vector<64x64xf32> to vector<1x64x64xf32>
    tpu.vector_store %arg5[%swap3A_457, %swap3A_458, %swap3A_459], %swap3A_462 {strides = array<i32>} : memref<4x64x768xf32, #tpu.memory_space<vmem>>, vector<1x64x64xf32>,
    %slice3A_463 = vector.extract_strided_slice %convert_element_type3A_389 {offsets = [0, 256], sizes = [64, 64], strides = [1, 1]} : vector<64x768xbf16> to vector<64x64xbf16>
    %slice3A_464 = vector.extract_strided_slice %convert_element_type3A_390 {offsets = [0, 256], sizes = [64, 64], strides = [1, 1]} : vector<64x768xbf16> to vector<64x64xbf16>
    %dot_general3A_465 = arith.constant dense<0.000000e+00> : vector<64x64xf32>
    %dot_general3A_466 = tpu.matmul %slice3A_463, %slice3A_464, %dot_general3A_465 {dimension_numbers = #tpu.dot_dimension_numbers<[1], [1], [0], [0], [0, 0, 1, 0], [], []>, transpose_lhs_hint = false} : vector<64x64xbf16>, vector<64x64xbf16>, vector<64x64xf32> -> vector<64x64xf32>
    %slice3A_467 = vector.extract_strided_slice %convert_element_type3A_389 {offsets = [0, 320], sizes = [64, 64], strides = [1, 1]} : vector<64x768xbf16> to vector<64x64xbf16>
    %slice3A_468 = vector.extract_strided_slice %convert_element_type3A_390 {offsets = [0, 320], sizes = [64, 64], strides = [1, 1]} : vector<64x768xbf16> to vector<64x64xbf16>
    %dot_general3A_469 = arith.constant dense<0.000000e+00> : vector<64x64xf32>
    %dot_general3A_470 = tpu.matmul %slice3A_467, %slice3A_468, %dot_general3A_469 {dimension_numbers = #tpu.dot_dimension_numbers<[1], [1], [0], [0], [0, 0, 1, 0], [], []>, transpose_lhs_hint = false} : vector<64x64xbf16>, vector<64x64xbf16>, vector<64x64xf32> -> vector<64x64xf32>
    %slice3A_471 = vector.extract_strided_slice %convert_element_type3A_389 {offsets = [0, 384], sizes = [64, 64], strides = [1, 1]} : vector<64x768xbf16> to vector<64x64xbf16>
    %slice3A_472 = vector.extract_strided_slice %convert_element_type3A_390 {offsets = [0, 384], sizes = [64, 64], strides = [1, 1]} : vector<64x768xbf16> to vector<64x64xbf16>
    %dot_general3A_473 = arith.constant dense<0.000000e+00> : vector<64x64xf32>
    %dot_general3A_474 = tpu.matmul %slice3A_471, %slice3A_472, %dot_general3A_473 {dimension_numbers = #tpu.dot_dimension_numbers<[1], [1], [0], [0], [0, 0, 1, 0], [], []>, transpose_lhs_hint = false} : vector<64x64xbf16>, vector<64x64xbf16>, vector<64x64xf32> -> vector<64x64xf32>
    %slice3A_475 = vector.extract_strided_slice %convert_element_type3A_389 {offsets = [0, 448], sizes = [64, 64], strides = [1, 1]} : vector<64x768xbf16> to vector<64x64xbf16>
    %slice3A_476 = vector.extract_strided_slice %convert_element_type3A_390 {offsets = [0, 448], sizes = [64, 64], strides = [1, 1]} : vector<64x768xbf16> to vector<64x64xbf16>
    %dot_general3A_477 = arith.constant dense<0.000000e+00> : vector<64x64xf32>
    %dot_general3A_478 = tpu.matmul %slice3A_475, %slice3A_476, %dot_general3A_477 {dimension_numbers = #tpu.dot_dimension_numbers<[1], [1], [0], [0], [0, 0, 1, 0], [], []>, transpose_lhs_hint = false} : vector<64x64xbf16>, vector<64x64xbf16>, vector<64x64xf32> -> vector<64x64xf32>
    %concatenate3A_479 = tpu.concatenate %dot_general3A_466, %dot_general3A_470, %dot_general3A_474, %dot_general3A_478 in 1 : vector<64x64xf32>, vector<64x64xf32>, vector<64x64xf32>, vector<64x64xf32> -> vector<64x256xf32>
    %reshape3A_480 = vector.shape_cast %concatenate3A_479 : vector<64x256xf32> to vector<64x4x64xf32>
    %reduce_max3A_481 = arith.constant dense<0xFF800000> : vector<64x4xf32>
    %reduce_max3A_482 = vector.multi_reduction <maximumf>, %reshape3A_480, %reduce_max3A_481 [2] : vector<64x4x64xf32> to vector<64x4xf32>
    %broadcast_in_dim3A_483 = vector.shape_cast %reduce_max3A_482 : vector<64x4xf32> to vector<64x4x1xf32>
    %sub3A_484 = vector.broadcast %broadcast_in_dim3A_483 : vector<64x4x1xf32> to vector<64x4x64xf32>
    %sub3A_485 = arith.subf %reshape3A_480, %sub3A_484 : vector<64x4x64xf32>
    %exp3A_486 = math.exp %sub3A_485 : vector<64x4x64xf32>
    %reduce_sum3A_487 = arith.constant dense<0.000000e+00> : vector<64x4xf32>
    %reduce_sum3A_488 = vector.multi_reduction <add>, %exp3A_486, %reduce_sum3A_487 [2] : vector<64x4x64xf32> to vector<64x4xf32>
    %broadcast_in_dim3A_489 = vector.shape_cast %reduce_sum3A_488 : vector<64x4xf32> to vector<64x4x1xf32>
    %div3A_490 = vector.broadcast %broadcast_in_dim3A_489 : vector<64x4x1xf32> to vector<64x4x64xf32>
    %div3A_491 = arith.divf %exp3A_486, %div3A_490 : vector<64x4x64xf32>
    %reshape3A_492 = vector.shape_cast %div3A_491 : vector<64x4x64xf32> to vector<64x256xf32>
    %convert_element_type3A_493 = arith.truncf %reshape3A_492 : vector<64x256xf32> to vector<64x256xbf16>
    %slice3A_494 = vector.extract_strided_slice %convert_element_type3A_493 {offsets = [0, 0], sizes = [64, 64], strides = [1, 1]} : vector<64x256xbf16> to vector<64x64xbf16>
    %slice3A_495 = vector.extract_strided_slice %convert_element_type3A_391 {offsets = [0, 256], sizes = [64, 64], strides = [1, 1]} : vector<64x768xbf16> to vector<64x64xbf16>
    %dot_general3A_496 = arith.constant dense<0.000000e+00> : vector<64x64xf32>
    %dot_general3A_497 = tpu.matmul %slice3A_494, %slice3A_495, %dot_general3A_496 {dimension_numbers = #tpu.dot_dimension_numbers<[1], [0], [0], [1], [0, 0, 1, 1], [], []>, transpose_lhs_hint = false} : vector<64x64xbf16>, vector<64x64xbf16>, vector<64x64xf32> -> vector<64x64xf32>
    %swap3A_498 = arith.constant 1 : index
    %swap3A_499 = arith.constant 0 : index
    %swap3A_500 = arith.constant 256 : index
    %swap3A_501 = vector.load %arg5[%swap3A_498, %swap3A_499, %swap3A_500] : memref<4x64x768xf32, #tpu.memory_space<vmem>>, vector<1x64x64xf32>
    %swap3A_502 = vector.shape_cast %swap3A_501 : vector<1x64x64xf32> to vector<64x64xf32>
    %swap3A_503 = vector.shape_cast %dot_general3A_497 : vector<64x64xf32> to vector<1x64x64xf32>
    tpu.vector_store %arg5[%swap3A_498, %swap3A_499, %swap3A_500], %swap3A_503 {strides = array<i32>} : memref<4x64x768xf32, #tpu.memory_space<vmem>>, vector<1x64x64xf32>,
    %slice3A_504 = vector.extract_strided_slice %convert_element_type3A_493 {offsets = [0, 64], sizes = [64, 64], strides = [1, 1]} : vector<64x256xbf16> to vector<64x64xbf16>
    %slice3A_505 = vector.extract_strided_slice %convert_element_type3A_391 {offsets = [0, 320], sizes = [64, 64], strides = [1, 1]} : vector<64x768xbf16> to vector<64x64xbf16>
    %dot_general3A_506 = arith.constant dense<0.000000e+00> : vector<64x64xf32>
    %dot_general3A_507 = tpu.matmul %slice3A_504, %slice3A_505, %dot_general3A_506 {dimension_numbers = #tpu.dot_dimension_numbers<[1], [0], [0], [1], [0, 0, 1, 1], [], []>, transpose_lhs_hint = false} : vector<64x64xbf16>, vector<64x64xbf16>, vector<64x64xf32> -> vector<64x64xf32>
    %swap3A_508 = arith.constant 1 : index
    %swap3A_509 = arith.constant 0 : index
    %swap3A_510 = arith.constant 320 : index
    %swap3A_511 = vector.load %arg5[%swap3A_508, %swap3A_509, %swap3A_510] : memref<4x64x768xf32, #tpu.memory_space<vmem>>, vector<1x64x64xf32>
    %swap3A_512 = vector.shape_cast %swap3A_511 : vector<1x64x64xf32> to vector<64x64xf32>
    %swap3A_513 = vector.shape_cast %dot_general3A_507 : vector<64x64xf32> to vector<1x64x64xf32>
    tpu.vector_store %arg5[%swap3A_508, %swap3A_509, %swap3A_510], %swap3A_513 {strides = array<i32>} : memref<4x64x768xf32, #tpu.memory_space<vmem>>, vector<1x64x64xf32>,
    %slice3A_514 = vector.extract_strided_slice %convert_element_type3A_493 {offsets = [0, 128], sizes = [64, 64], strides = [1, 1]} : vector<64x256xbf16> to vector<64x64xbf16>
    %slice3A_515 = vector.extract_strided_slice %convert_element_type3A_391 {offsets = [0, 384], sizes = [64, 64], strides = [1, 1]} : vector<64x768xbf16> to vector<64x64xbf16>
    %dot_general3A_516 = arith.constant dense<0.000000e+00> : vector<64x64xf32>
    %dot_general3A_517 = tpu.matmul %slice3A_514, %slice3A_515, %dot_general3A_516 {dimension_numbers = #tpu.dot_dimension_numbers<[1], [0], [0], [1], [0, 0, 1, 1], [], []>, transpose_lhs_hint = false} : vector<64x64xbf16>, vector<64x64xbf16>, vector<64x64xf32> -> vector<64x64xf32>
    %swap3A_518 = arith.constant 1 : index
    %swap3A_519 = arith.constant 0 : index
    %swap3A_520 = arith.constant 384 : index
    %swap3A_521 = vector.load %arg5[%swap3A_518, %swap3A_519, %swap3A_520] : memref<4x64x768xf32, #tpu.memory_space<vmem>>, vector<1x64x64xf32>
    %swap3A_522 = vector.shape_cast %swap3A_521 : vector<1x64x64xf32> to vector<64x64xf32>
    %swap3A_523 = vector.shape_cast %dot_general3A_517 : vector<64x64xf32> to vector<1x64x64xf32>
    tpu.vector_store %arg5[%swap3A_518, %swap3A_519, %swap3A_520], %swap3A_523 {strides = array<i32>} : memref<4x64x768xf32, #tpu.memory_space<vmem>>, vector<1x64x64xf32>,
    %slice3A_524 = vector.extract_strided_slice %convert_element_type3A_493 {offsets = [0, 192], sizes = [64, 64], strides = [1, 1]} : vector<64x256xbf16> to vector<64x64xbf16>
    %slice3A_525 = vector.extract_strided_slice %convert_element_type3A_391 {offsets = [0, 448], sizes = [64, 64], strides = [1, 1]} : vector<64x768xbf16> to vector<64x64xbf16>
    %dot_general3A_526 = arith.constant dense<0.000000e+00> : vector<64x64xf32>
    %dot_general3A_527 = tpu.matmul %slice3A_524, %slice3A_525, %dot_general3A_526 {dimension_numbers = #tpu.dot_dimension_numbers<[1], [0], [0], [1], [0, 0, 1, 1], [], []>, transpose_lhs_hint = false} : vector<64x64xbf16>, vector<64x64xbf16>, vector<64x64xf32> -> vector<64x64xf32>
    %swap3A_528 = arith.constant 1 : index
    %swap3A_529 = arith.constant 0 : index
    %swap3A_530 = arith.constant 448 : index
    %swap3A_531 = vector.load %arg5[%swap3A_528, %swap3A_529, %swap3A_530] : memref<4x64x768xf32, #tpu.memory_space<vmem>>, vector<1x64x64xf32>
    %swap3A_532 = vector.shape_cast %swap3A_531 : vector<1x64x64xf32> to vector<64x64xf32>
    %swap3A_533 = vector.shape_cast %dot_general3A_527 : vector<64x64xf32> to vector<1x64x64xf32>
    tpu.vector_store %arg5[%swap3A_528, %swap3A_529, %swap3A_530], %swap3A_533 {strides = array<i32>} : memref<4x64x768xf32, #tpu.memory_space<vmem>>, vector<1x64x64xf32>,
    %slice3A_534 = vector.extract_strided_slice %convert_element_type3A_389 {offsets = [0, 512], sizes = [64, 64], strides = [1, 1]} : vector<64x768xbf16> to vector<64x64xbf16>
    %slice3A_535 = vector.extract_strided_slice %convert_element_type3A_390 {offsets = [0, 512], sizes = [64, 64], strides = [1, 1]} : vector<64x768xbf16> to vector<64x64xbf16>
    %dot_general3A_536 = arith.constant dense<0.000000e+00> : vector<64x64xf32>
    %dot_general3A_537 = tpu.matmul %slice3A_534, %slice3A_535, %dot_general3A_536 {dimension_numbers = #tpu.dot_dimension_numbers<[1], [1], [0], [0], [0, 0, 1, 0], [], []>, transpose_lhs_hint = false} : vector<64x64xbf16>, vector<64x64xbf16>, vector<64x64xf32> -> vector<64x64xf32>
    %slice3A_538 = vector.extract_strided_slice %convert_element_type3A_389 {offsets = [0, 576], sizes = [64, 64], strides = [1, 1]} : vector<64x768xbf16> to vector<64x64xbf16>
    %slice3A_539 = vector.extract_strided_slice %convert_element_type3A_390 {offsets = [0, 576], sizes = [64, 64], strides = [1, 1]} : vector<64x768xbf16> to vector<64x64xbf16>
    %dot_general3A_540 = arith.constant dense<0.000000e+00> : vector<64x64xf32>
    %dot_general3A_541 = tpu.matmul %slice3A_538, %slice3A_539, %dot_general3A_540 {dimension_numbers = #tpu.dot_dimension_numbers<[1], [1], [0], [0], [0, 0, 1, 0], [], []>, transpose_lhs_hint = false} : vector<64x64xbf16>, vector<64x64xbf16>, vector<64x64xf32> -> vector<64x64xf32>
    %slice3A_542 = vector.extract_strided_slice %convert_element_type3A_389 {offsets = [0, 640], sizes = [64, 64], strides = [1, 1]} : vector<64x768xbf16> to vector<64x64xbf16>
    %slice3A_543 = vector.extract_strided_slice %convert_element_type3A_390 {offsets = [0, 640], sizes = [64, 64], strides = [1, 1]} : vector<64x768xbf16> to vector<64x64xbf16>
    %dot_general3A_544 = arith.constant dense<0.000000e+00> : vector<64x64xf32>
    %dot_general3A_545 = tpu.matmul %slice3A_542, %slice3A_543, %dot_general3A_544 {dimension_numbers = #tpu.dot_dimension_numbers<[1], [1], [0], [0], [0, 0, 1, 0], [], []>, transpose_lhs_hint = false} : vector<64x64xbf16>, vector<64x64xbf16>, vector<64x64xf32> -> vector<64x64xf32>
    %slice3A_546 = vector.extract_strided_slice %convert_element_type3A_389 {offsets = [0, 704], sizes = [64, 64], strides = [1, 1]} : vector<64x768xbf16> to vector<64x64xbf16>
    %slice3A_547 = vector.extract_strided_slice %convert_element_type3A_390 {offsets = [0, 704], sizes = [64, 64], strides = [1, 1]} : vector<64x768xbf16> to vector<64x64xbf16>
    %dot_general3A_548 = arith.constant dense<0.000000e+00> : vector<64x64xf32>
    %dot_general3A_549 = tpu.matmul %slice3A_546, %slice3A_547, %dot_general3A_548 {dimension_numbers = #tpu.dot_dimension_numbers<[1], [1], [0], [0], [0, 0, 1, 0], [], []>, transpose_lhs_hint = false} : vector<64x64xbf16>, vector<64x64xbf16>, vector<64x64xf32> -> vector<64x64xf32>
    %concatenate3A_550 = tpu.concatenate %dot_general3A_537, %dot_general3A_541, %dot_general3A_545, %dot_general3A_549 in 1 : vector<64x64xf32>, vector<64x64xf32>, vector<64x64xf32>, vector<64x64xf32> -> vector<64x256xf32>
    %reshape3A_551 = vector.shape_cast %concatenate3A_550 : vector<64x256xf32> to vector<64x4x64xf32>
    %reduce_max3A_552 = arith.constant dense<0xFF800000> : vector<64x4xf32>
    %reduce_max3A_553 = vector.multi_reduction <maximumf>, %reshape3A_551, %reduce_max3A_552 [2] : vector<64x4x64xf32> to vector<64x4xf32>
    %broadcast_in_dim3A_554 = vector.shape_cast %reduce_max3A_553 : vector<64x4xf32> to vector<64x4x1xf32>
    %sub3A_555 = vector.broadcast %broadcast_in_dim3A_554 : vector<64x4x1xf32> to vector<64x4x64xf32>
    %sub3A_556 = arith.subf %reshape3A_551, %sub3A_555 : vector<64x4x64xf32>
    %exp3A_557 = math.exp %sub3A_556 : vector<64x4x64xf32>
    %reduce_sum3A_558 = arith.constant dense<0.000000e+00> : vector<64x4xf32>
    %reduce_sum3A_559 = vector.multi_reduction <add>, %exp3A_557, %reduce_sum3A_558 [2] : vector<64x4x64xf32> to vector<64x4xf32>
    %broadcast_in_dim3A_560 = vector.shape_cast %reduce_sum3A_559 : vector<64x4xf32> to vector<64x4x1xf32>
    %div3A_561 = vector.broadcast %broadcast_in_dim3A_560 : vector<64x4x1xf32> to vector<64x4x64xf32>
    %div3A_562 = arith.divf %exp3A_557, %div3A_561 : vector<64x4x64xf32>
    %reshape3A_563 = vector.shape_cast %div3A_562 : vector<64x4x64xf32> to vector<64x256xf32>
    %convert_element_type3A_564 = arith.truncf %reshape3A_563 : vector<64x256xf32> to vector<64x256xbf16>
    %slice3A_565 = vector.extract_strided_slice %convert_element_type3A_564 {offsets = [0, 0], sizes = [64, 64], strides = [1, 1]} : vector<64x256xbf16> to vector<64x64xbf16>
    %slice3A_566 = vector.extract_strided_slice %convert_element_type3A_391 {offsets = [0, 512], sizes = [64, 64], strides = [1, 1]} : vector<64x768xbf16> to vector<64x64xbf16>
    %dot_general3A_567 = arith.constant dense<0.000000e+00> : vector<64x64xf32>
    %dot_general3A_568 = tpu.matmul %slice3A_565, %slice3A_566, %dot_general3A_567 {dimension_numbers = #tpu.dot_dimension_numbers<[1], [0], [0], [1], [0, 0, 1, 1], [], []>, transpose_lhs_hint = false} : vector<64x64xbf16>, vector<64x64xbf16>, vector<64x64xf32> -> vector<64x64xf32>
    %swap3A_569 = arith.constant 1 : index
    %swap3A_570 = arith.constant 0 : index
    %swap3A_571 = arith.constant 512 : index
    %swap3A_572 = vector.load %arg5[%swap3A_569, %swap3A_570, %swap3A_571] : memref<4x64x768xf32, #tpu.memory_space<vmem>>, vector<1x64x64xf32>
    %swap3A_573 = vector.shape_cast %swap3A_572 : vector<1x64x64xf32> to vector<64x64xf32>
    %swap3A_574 = vector.shape_cast %dot_general3A_568 : vector<64x64xf32> to vector<1x64x64xf32>
    tpu.vector_store %arg5[%swap3A_569, %swap3A_570, %swap3A_571], %swap3A_574 {strides = array<i32>} : memref<4x64x768xf32, #tpu.memory_space<vmem>>, vector<1x64x64xf32>,
    %slice3A_575 = vector.extract_strided_slice %convert_element_type3A_564 {offsets = [0, 64], sizes = [64, 64], strides = [1, 1]} : vector<64x256xbf16> to vector<64x64xbf16>
    %slice3A_576 = vector.extract_strided_slice %convert_element_type3A_391 {offsets = [0, 576], sizes = [64, 64], strides = [1, 1]} : vector<64x768xbf16> to vector<64x64xbf16>
    %dot_general3A_577 = arith.constant dense<0.000000e+00> : vector<64x64xf32>
    %dot_general3A_578 = tpu.matmul %slice3A_575, %slice3A_576, %dot_general3A_577 {dimension_numbers = #tpu.dot_dimension_numbers<[1], [0], [0], [1], [0, 0, 1, 1], [], []>, transpose_lhs_hint = false} : vector<64x64xbf16>, vector<64x64xbf16>, vector<64x64xf32> -> vector<64x64xf32>
    %swap3A_579 = arith.constant 1 : index
    %swap3A_580 = arith.constant 0 : index
    %swap3A_581 = arith.constant 576 : index
    %swap3A_582 = vector.load %arg5[%swap3A_579, %swap3A_580, %swap3A_581] : memref<4x64x768xf32, #tpu.memory_space<vmem>>, vector<1x64x64xf32>
    %swap3A_583 = vector.shape_cast %swap3A_582 : vector<1x64x64xf32> to vector<64x64xf32>
    %swap3A_584 = vector.shape_cast %dot_general3A_578 : vector<64x64xf32> to vector<1x64x64xf32>
    tpu.vector_store %arg5[%swap3A_579, %swap3A_580, %swap3A_581], %swap3A_584 {strides = array<i32>} : memref<4x64x768xf32, #tpu.memory_space<vmem>>, vector<1x64x64xf32>,
    %slice3A_585 = vector.extract_strided_slice %convert_element_type3A_564 {offsets = [0, 128], sizes = [64, 64], strides = [1, 1]} : vector<64x256xbf16> to vector<64x64xbf16>
    %slice3A_586 = vector.extract_strided_slice %convert_element_type3A_391 {offsets = [0, 640], sizes = [64, 64], strides = [1, 1]} : vector<64x768xbf16> to vector<64x64xbf16>
    %dot_general3A_587 = arith.constant dense<0.000000e+00> : vector<64x64xf32>
    %dot_general3A_588 = tpu.matmul %slice3A_585, %slice3A_586, %dot_general3A_587 {dimension_numbers = #tpu.dot_dimension_numbers<[1], [0], [0], [1], [0, 0, 1, 1], [], []>, transpose_lhs_hint = false} : vector<64x64xbf16>, vector<64x64xbf16>, vector<64x64xf32> -> vector<64x64xf32>
    %swap3A_589 = arith.constant 1 : index
    %swap3A_590 = arith.constant 0 : index
    %swap3A_591 = arith.constant 640 : index
    %swap3A_592 = vector.load %arg5[%swap3A_589, %swap3A_590, %swap3A_591] : memref<4x64x768xf32, #tpu.memory_space<vmem>>, vector<1x64x64xf32>
    %swap3A_593 = vector.shape_cast %swap3A_592 : vector<1x64x64xf32> to vector<64x64xf32>
    %swap3A_594 = vector.shape_cast %dot_general3A_588 : vector<64x64xf32> to vector<1x64x64xf32>
    tpu.vector_store %arg5[%swap3A_589, %swap3A_590, %swap3A_591], %swap3A_594 {strides = array<i32>} : memref<4x64x768xf32, #tpu.memory_space<vmem>>, vector<1x64x64xf32>,
    %slice3A_595 = vector.extract_strided_slice %convert_element_type3A_564 {offsets = [0, 192], sizes = [64, 64], strides = [1, 1]} : vector<64x256xbf16> to vector<64x64xbf16>
    %slice3A_596 = vector.extract_strided_slice %convert_element_type3A_391 {offsets = [0, 704], sizes = [64, 64], strides = [1, 1]} : vector<64x768xbf16> to vector<64x64xbf16>
    %dot_general3A_597 = arith.constant dense<0.000000e+00> : vector<64x64xf32>
    %dot_general3A_598 = tpu.matmul %slice3A_595, %slice3A_596, %dot_general3A_597 {dimension_numbers = #tpu.dot_dimension_numbers<[1], [0], [0], [1], [0, 0, 1, 1], [], []>, transpose_lhs_hint = false} : vector<64x64xbf16>, vector<64x64xbf16>, vector<64x64xf32> -> vector<64x64xf32>
    %swap3A_599 = arith.constant 1 : index
    %swap3A_600 = arith.constant 0 : index
    %swap3A_601 = arith.constant 704 : index
    %swap3A_602 = vector.load %arg5[%swap3A_599, %swap3A_600, %swap3A_601] : memref<4x64x768xf32, #tpu.memory_space<vmem>>, vector<1x64x64xf32>
    %swap3A_603 = vector.shape_cast %swap3A_602 : vector<1x64x64xf32> to vector<64x64xf32>
    %swap3A_604 = vector.shape_cast %dot_general3A_598 : vector<64x64xf32> to vector<1x64x64xf32>
    tpu.vector_store %arg5[%swap3A_599, %swap3A_600, %swap3A_601], %swap3A_604 {strides = array<i32>} : memref<4x64x768xf32, #tpu.memory_space<vmem>>, vector<1x64x64xf32>,
    %mul3A_605 = arith.constant 4 : i32
    %mul3A_606 = arith.muli %arg0, %mul3A_605 : i32
    %add3A_607 = arith.constant 2 : i32
    %add3A_608 = arith.addi %mul3A_606, %add3A_607 : i32
    %jit3A_609 = arith.constant 16 : i32
    %div3A_610 = arith.divsi %add3A_608, %jit3A_609 : i32
    %sign3A_611 = arith.constant 0 : i32
    %sign3A_612 = arith.cmpi sgt, %add3A_608, %sign3A_611 : i32
    %sign3A_613 = arith.extui %sign3A_612 : i1 to i32
    %sign3A_614 = arith.constant 0 : i32
    %sign3A_615 = arith.cmpi slt, %add3A_608, %sign3A_614 : i32
    %sign3A_616 = arith.extui %sign3A_615 : i1 to i32
    %sign3A_617 = arith.subi %sign3A_613, %sign3A_616 : i32
    %sign3A_618 = arith.constant 0 : i32
    %sign3A_619 = arith.cmpi sgt, %jit3A_609, %sign3A_618 : i32
    %sign3A_620 = arith.extui %sign3A_619 : i1 to i32
    %sign3A_621 = arith.constant 0 : i32
    %sign3A_622 = arith.cmpi slt, %jit3A_609, %sign3A_621 : i32
    %sign3A_623 = arith.extui %sign3A_622 : i1 to i32
    %sign3A_624 = arith.subi %sign3A_620, %sign3A_623 : i32
    %ne3A_625 = arith.cmpi ne, %sign3A_617, %sign3A_624 : i32
    %rem3A_626 = arith.remsi %add3A_608, %jit3A_609 : i32
    %ne3A_627 = arith.constant 0 : i32
    %ne3A_628 = arith.cmpi ne, %rem3A_626, %ne3A_627 : i32
    %and3A_629 = arith.andi %ne3A_625, %ne3A_628 : i1
    %sub3A_630 = arith.constant 1 : i32
    %sub3A_631 = arith.subi %div3A_610, %sub3A_630 : i32
    %select_n3A_632 = arith.select %and3A_629, %sub3A_631, %div3A_610 : i32
    %jit3A_633 = arith.constant 16 : i32
    %eq3A_634 = arith.constant 0 : i32
    %eq3A_635 = arith.cmpi eq, %jit3A_633, %eq3A_634 : i32
    %jit3A_636 = arith.constant 1 : i32
    %select_n3A_637 = arith.select %eq3A_635, %jit3A_636, %jit3A_633 : i32
    %rem3A_638 = arith.remsi %add3A_608, %select_n3A_637 : i32
    %ne3A_639 = arith.constant 0 : i32
    %ne3A_640 = arith.cmpi ne, %rem3A_638, %ne3A_639 : i32
    %lt3A_641 = arith.constant 0 : i32
    %lt3A_642 = arith.cmpi slt, %rem3A_638, %lt3A_641 : i32
    %lt3A_643 = arith.constant 0 : i32
    %lt3A_644 = arith.cmpi slt, %select_n3A_637, %lt3A_643 : i32
    %ne3A_645 = arith.xori %lt3A_642, %lt3A_644 : i1
    %and3A_646 = arith.andi %ne3A_645, %ne3A_640 : i1
    %add3A_647 = arith.addi %rem3A_638, %select_n3A_637 : i32
    %select_n3A_648 = arith.select %and3A_646, %add3A_647, %rem3A_638 : i32
    %mul3A_649 = arith.constant 32 : i32
    %mul3A_650 = arith.muli %select_n3A_632, %mul3A_649 : i32
    %add3A_651 = arith.addi %mul3A_650, %select_n3A_648 : i32
    %get3A_652 = arith.index_cast %add3A_651 : i32 to index
    %get3A_653 = memref.load %arg1[%get3A_652] : memref<128xi32, #tpu.memory_space<smem>>
    %mul3A_654 = arith.constant 32 : i32
    %mul3A_655 = arith.muli %select_n3A_632, %mul3A_654 : i32
    %add3A_656 = arith.constant 16 : i32
    %add3A_657 = arith.addi %mul3A_655, %add3A_656 : i32
    %add3A_658 = arith.addi %add3A_657, %select_n3A_648 : i32
    %get3A_659 = arith.index_cast %add3A_658 : i32 to index
    %get3A_660 = memref.load %arg1[%get3A_659] : memref<128xi32, #tpu.memory_space<smem>>
    %mul3A_661 = arith.constant 32 : i32
    %mul3A_662 = arith.muli %select_n3A_632, %mul3A_661 : i32
    %add3A_663 = arith.addi %mul3A_662, %select_n3A_648 : i32
    %get3A_664 = arith.index_cast %add3A_663 : i32 to index
    %get3A_665 = memref.load %arg2[%get3A_664] : memref<128xf32, #tpu.memory_space<smem>>
    %mul3A_666 = arith.constant 32 : i32
    %mul3A_667 = arith.muli %select_n3A_632, %mul3A_666 : i32
    %add3A_668 = arith.constant 16 : i32
    %add3A_669 = arith.addi %mul3A_667, %add3A_668 : i32
    %add3A_670 = arith.addi %add3A_669, %select_n3A_648 : i32
    %get3A_671 = arith.index_cast %add3A_670 : i32 to index
    %get3A_672 = memref.load %arg2[%get3A_671] : memref<128xf32, #tpu.memory_space<smem>>
    %get3A_673 = arith.constant 2 : index
    %get3A_674 = arith.constant 0 : index
    %get3A_675 = arith.constant 0 : index
    %get3A_676 = vector.load %arg3[%get3A_673, %get3A_674, %get3A_675] : memref<4x64x768xbf16, #tpu.memory_space<vmem>>, vector<1x64x768xbf16>
    %get3A_677 = vector.shape_cast %get3A_676 : vector<1x64x768xbf16> to vector<64x768xbf16>
    %get3A_678 = arith.index_cast %get3A_653 : i32 to index
    %get3A_679 = arith.constant 0 : index
    %get3A_680 = arith.constant 0 : index
    %get3A_681 = vector.load %arg4[%get3A_678, %get3A_679, %get3A_680] : memref<8x2304x768xbf16, #tpu.memory_space<vmem>>, vector<1x2304x768xbf16>
    %get3A_682 = vector.shape_cast %get3A_681 : vector<1x2304x768xbf16> to vector<2304x768xbf16>
    %dot_general3A_683 = arith.constant dense<0.000000e+00> : vector<64x2304xf32>
    %dot_general3A_684 = tpu.matmul %get3A_677, %get3A_682, %dot_general3A_683 {dimension_numbers = #tpu.dot_dimension_numbers<[1], [1], [0], [0], [0, 0, 1, 0], [], []>, transpose_lhs_hint = false} : vector<64x768xbf16>, vector<2304x768xbf16>, vector<64x2304xf32> -> vector<64x2304xf32>
    %get3A_685 = arith.index_cast %get3A_660 : i32 to index
    %get3A_686 = arith.constant 0 : index
    %get3A_687 = arith.constant 0 : index
    %get3A_688 = vector.load %arg4[%get3A_685, %get3A_686, %get3A_687] : memref<8x2304x768xbf16, #tpu.memory_space<vmem>>, vector<1x2304x768xbf16>
    %get3A_689 = vector.shape_cast %get3A_688 : vector<1x2304x768xbf16> to vector<2304x768xbf16>
    %dot_general3A_690 = arith.constant dense<0.000000e+00> : vector<64x2304xf32>
    %dot_general3A_691 = tpu.matmul %get3A_677, %get3A_689, %dot_general3A_690 {dimension_numbers = #tpu.dot_dimension_numbers<[1], [1], [0], [0], [0, 0, 1, 0], [], []>, transpose_lhs_hint = false} : vector<64x768xbf16>, vector<2304x768xbf16>, vector<64x2304xf32> -> vector<64x2304xf32>
    %mul3A_692 = vector.broadcast %get3A_665 : f32 to vector<64x2304xf32>
    %mul3A_693 = arith.mulf %mul3A_692, %dot_general3A_684 : vector<64x2304xf32>
    %mul3A_694 = vector.broadcast %get3A_672 : f32 to vector<64x2304xf32>
    %mul3A_695 = arith.mulf %mul3A_694, %dot_general3A_691 : vector<64x2304xf32>
    %add3A_696 = arith.addf %mul3A_693, %mul3A_695 : vector<64x2304xf32>
    %slice3A_697 = vector.extract_strided_slice %add3A_696 {offsets = [0, 0], sizes = [64, 768], strides = [1, 1]} : vector<64x2304xf32> to vector<64x768xf32>
    %slice3A_698 = vector.extract_strided_slice %add3A_696 {offsets = [0, 768], sizes = [64, 768], strides = [1, 1]} : vector<64x2304xf32> to vector<64x768xf32>
    %slice3A_699 = vector.extract_strided_slice %add3A_696 {offsets = [0, 1536], sizes = [64, 768], strides = [1, 1]} : vector<64x2304xf32> to vector<64x768xf32>
    %mul3A_700 = arith.constant 1.250000e-01 : f32
    %mul3A_701 = vector.broadcast %mul3A_700 : f32 to vector<64x768xf32>
    %mul3A_702 = arith.mulf %slice3A_697, %mul3A_701 : vector<64x768xf32>
    %convert_element_type3A_703 = arith.truncf %mul3A_702 : vector<64x768xf32> to vector<64x768xbf16>
    %convert_element_type3A_704 = arith.truncf %slice3A_698 : vector<64x768xf32> to vector<64x768xbf16>
    %convert_element_type3A_705 = arith.truncf %slice3A_699 : vector<64x768xf32> to vector<64x768xbf16>
    %slice3A_706 = vector.extract_strided_slice %convert_element_type3A_703 {offsets = [0, 0], sizes = [64, 64], strides = [1, 1]} : vector<64x768xbf16> to vector<64x64xbf16>
    %slice3A_707 = vector.extract_strided_slice %convert_element_type3A_704 {offsets = [0, 0], sizes = [64, 64], strides = [1, 1]} : vector<64x768xbf16> to vector<64x64xbf16>
    %dot_general3A_708 = arith.constant dense<0.000000e+00> : vector<64x64xf32>
    %dot_general3A_709 = tpu.matmul %slice3A_706, %slice3A_707, %dot_general3A_708 {dimension_numbers = #tpu.dot_dimension_numbers<[1], [1], [0], [0], [0, 0, 1, 0], [], []>, transpose_lhs_hint = false} : vector<64x64xbf16>, vector<64x64xbf16>, vector<64x64xf32> -> vector<64x64xf32>
    %slice3A_710 = vector.extract_strided_slice %convert_element_type3A_703 {offsets = [0, 64], sizes = [64, 64], strides = [1, 1]} : vector<64x768xbf16> to vector<64x64xbf16>
    %slice3A_711 = vector.extract_strided_slice %convert_element_type3A_704 {offsets = [0, 64], sizes = [64, 64], strides = [1, 1]} : vector<64x768xbf16> to vector<64x64xbf16>
    %dot_general3A_712 = arith.constant dense<0.000000e+00> : vector<64x64xf32>
    %dot_general3A_713 = tpu.matmul %slice3A_710, %slice3A_711, %dot_general3A_712 {dimension_numbers = #tpu.dot_dimension_numbers<[1], [1], [0], [0], [0, 0, 1, 0], [], []>, transpose_lhs_hint = false} : vector<64x64xbf16>, vector<64x64xbf16>, vector<64x64xf32> -> vector<64x64xf32>
    %slice3A_714 = vector.extract_strided_slice %convert_element_type3A_703 {offsets = [0, 128], sizes = [64, 64], strides = [1, 1]} : vector<64x768xbf16> to vector<64x64xbf16>
    %slice3A_715 = vector.extract_strided_slice %convert_element_type3A_704 {offsets = [0, 128], sizes = [64, 64], strides = [1, 1]} : vector<64x768xbf16> to vector<64x64xbf16>
    %dot_general3A_716 = arith.constant dense<0.000000e+00> : vector<64x64xf32>
    %dot_general3A_717 = tpu.matmul %slice3A_714, %slice3A_715, %dot_general3A_716 {dimension_numbers = #tpu.dot_dimension_numbers<[1], [1], [0], [0], [0, 0, 1, 0], [], []>, transpose_lhs_hint = false} : vector<64x64xbf16>, vector<64x64xbf16>, vector<64x64xf32> -> vector<64x64xf32>
    %slice3A_718 = vector.extract_strided_slice %convert_element_type3A_703 {offsets = [0, 192], sizes = [64, 64], strides = [1, 1]} : vector<64x768xbf16> to vector<64x64xbf16>
    %slice3A_719 = vector.extract_strided_slice %convert_element_type3A_704 {offsets = [0, 192], sizes = [64, 64], strides = [1, 1]} : vector<64x768xbf16> to vector<64x64xbf16>
    %dot_general3A_720 = arith.constant dense<0.000000e+00> : vector<64x64xf32>
    %dot_general3A_721 = tpu.matmul %slice3A_718, %slice3A_719, %dot_general3A_720 {dimension_numbers = #tpu.dot_dimension_numbers<[1], [1], [0], [0], [0, 0, 1, 0], [], []>, transpose_lhs_hint = false} : vector<64x64xbf16>, vector<64x64xbf16>, vector<64x64xf32> -> vector<64x64xf32>
    %concatenate3A_722 = tpu.concatenate %dot_general3A_709, %dot_general3A_713, %dot_general3A_717, %dot_general3A_721 in 1 : vector<64x64xf32>, vector<64x64xf32>, vector<64x64xf32>, vector<64x64xf32> -> vector<64x256xf32>
    %reshape3A_723 = vector.shape_cast %concatenate3A_722 : vector<64x256xf32> to vector<64x4x64xf32>
    %reduce_max3A_724 = arith.constant dense<0xFF800000> : vector<64x4xf32>
    %reduce_max3A_725 = vector.multi_reduction <maximumf>, %reshape3A_723, %reduce_max3A_724 [2] : vector<64x4x64xf32> to vector<64x4xf32>
    %broadcast_in_dim3A_726 = vector.shape_cast %reduce_max3A_725 : vector<64x4xf32> to vector<64x4x1xf32>
    %sub3A_727 = vector.broadcast %broadcast_in_dim3A_726 : vector<64x4x1xf32> to vector<64x4x64xf32>
    %sub3A_728 = arith.subf %reshape3A_723, %sub3A_727 : vector<64x4x64xf32>
    %exp3A_729 = math.exp %sub3A_728 : vector<64x4x64xf32>
    %reduce_sum3A_730 = arith.constant dense<0.000000e+00> : vector<64x4xf32>
    %reduce_sum3A_731 = vector.multi_reduction <add>, %exp3A_729, %reduce_sum3A_730 [2] : vector<64x4x64xf32> to vector<64x4xf32>
    %broadcast_in_dim3A_732 = vector.shape_cast %reduce_sum3A_731 : vector<64x4xf32> to vector<64x4x1xf32>
    %div3A_733 = vector.broadcast %broadcast_in_dim3A_732 : vector<64x4x1xf32> to vector<64x4x64xf32>
    %div3A_734 = arith.divf %exp3A_729, %div3A_733 : vector<64x4x64xf32>
    %reshape3A_735 = vector.shape_cast %div3A_734 : vector<64x4x64xf32> to vector<64x256xf32>
    %convert_element_type3A_736 = arith.truncf %reshape3A_735 : vector<64x256xf32> to vector<64x256xbf16>
    %slice3A_737 = vector.extract_strided_slice %convert_element_type3A_736 {offsets = [0, 0], sizes = [64, 64], strides = [1, 1]} : vector<64x256xbf16> to vector<64x64xbf16>
    %slice3A_738 = vector.extract_strided_slice %convert_element_type3A_705 {offsets = [0, 0], sizes = [64, 64], strides = [1, 1]} : vector<64x768xbf16> to vector<64x64xbf16>
    %dot_general3A_739 = arith.constant dense<0.000000e+00> : vector<64x64xf32>
    %dot_general3A_740 = tpu.matmul %slice3A_737, %slice3A_738, %dot_general3A_739 {dimension_numbers = #tpu.dot_dimension_numbers<[1], [0], [0], [1], [0, 0, 1, 1], [], []>, transpose_lhs_hint = false} : vector<64x64xbf16>, vector<64x64xbf16>, vector<64x64xf32> -> vector<64x64xf32>
    %swap3A_741 = arith.constant 2 : index
    %swap3A_742 = arith.constant 0 : index
    %swap3A_743 = arith.constant 0 : index
    %swap3A_744 = vector.load %arg5[%swap3A_741, %swap3A_742, %swap3A_743] : memref<4x64x768xf32, #tpu.memory_space<vmem>>, vector<1x64x64xf32>
    %swap3A_745 = vector.shape_cast %swap3A_744 : vector<1x64x64xf32> to vector<64x64xf32>
    %swap3A_746 = vector.shape_cast %dot_general3A_740 : vector<64x64xf32> to vector<1x64x64xf32>
    tpu.vector_store %arg5[%swap3A_741, %swap3A_742, %swap3A_743], %swap3A_746 {strides = array<i32>} : memref<4x64x768xf32, #tpu.memory_space<vmem>>, vector<1x64x64xf32>,
    %slice3A_747 = vector.extract_strided_slice %convert_element_type3A_736 {offsets = [0, 64], sizes = [64, 64], strides = [1, 1]} : vector<64x256xbf16> to vector<64x64xbf16>
    %slice3A_748 = vector.extract_strided_slice %convert_element_type3A_705 {offsets = [0, 64], sizes = [64, 64], strides = [1, 1]} : vector<64x768xbf16> to vector<64x64xbf16>
    %dot_general3A_749 = arith.constant dense<0.000000e+00> : vector<64x64xf32>
    %dot_general3A_750 = tpu.matmul %slice3A_747, %slice3A_748, %dot_general3A_749 {dimension_numbers = #tpu.dot_dimension_numbers<[1], [0], [0], [1], [0, 0, 1, 1], [], []>, transpose_lhs_hint = false} : vector<64x64xbf16>, vector<64x64xbf16>, vector<64x64xf32> -> vector<64x64xf32>
    %swap3A_751 = arith.constant 2 : index
    %swap3A_752 = arith.constant 0 : index
    %swap3A_753 = arith.constant 64 : index
    %swap3A_754 = vector.load %arg5[%swap3A_751, %swap3A_752, %swap3A_753] : memref<4x64x768xf32, #tpu.memory_space<vmem>>, vector<1x64x64xf32>
    %swap3A_755 = vector.shape_cast %swap3A_754 : vector<1x64x64xf32> to vector<64x64xf32>
    %swap3A_756 = vector.shape_cast %dot_general3A_750 : vector<64x64xf32> to vector<1x64x64xf32>
    tpu.vector_store %arg5[%swap3A_751, %swap3A_752, %swap3A_753], %swap3A_756 {strides = array<i32>} : memref<4x64x768xf32, #tpu.memory_space<vmem>>, vector<1x64x64xf32>,
    %slice3A_757 = vector.extract_strided_slice %convert_element_type3A_736 {offsets = [0, 128], sizes = [64, 64], strides = [1, 1]} : vector<64x256xbf16> to vector<64x64xbf16>
    %slice3A_758 = vector.extract_strided_slice %convert_element_type3A_705 {offsets = [0, 128], sizes = [64, 64], strides = [1, 1]} : vector<64x768xbf16> to vector<64x64xbf16>
    %dot_general3A_759 = arith.constant dense<0.000000e+00> : vector<64x64xf32>
    %dot_general3A_760 = tpu.matmul %slice3A_757, %slice3A_758, %dot_general3A_759 {dimension_numbers = #tpu.dot_dimension_numbers<[1], [0], [0], [1], [0, 0, 1, 1], [], []>, transpose_lhs_hint = false} : vector<64x64xbf16>, vector<64x64xbf16>, vector<64x64xf32> -> vector<64x64xf32>
    %swap3A_761 = arith.constant 2 : index
    %swap3A_762 = arith.constant 0 : index
    %swap3A_763 = arith.constant 128 : index
    %swap3A_764 = vector.load %arg5[%swap3A_761, %swap3A_762, %swap3A_763] : memref<4x64x768xf32, #tpu.memory_space<vmem>>, vector<1x64x64xf32>
    %swap3A_765 = vector.shape_cast %swap3A_764 : vector<1x64x64xf32> to vector<64x64xf32>
    %swap3A_766 = vector.shape_cast %dot_general3A_760 : vector<64x64xf32> to vector<1x64x64xf32>
    tpu.vector_store %arg5[%swap3A_761, %swap3A_762, %swap3A_763], %swap3A_766 {strides = array<i32>} : memref<4x64x768xf32, #tpu.memory_space<vmem>>, vector<1x64x64xf32>,
    %slice3A_767 = vector.extract_strided_slice %convert_element_type3A_736 {offsets = [0, 192], sizes = [64, 64], strides = [1, 1]} : vector<64x256xbf16> to vector<64x64xbf16>
    %slice3A_768 = vector.extract_strided_slice %convert_element_type3A_705 {offsets = [0, 192], sizes = [64, 64], strides = [1, 1]} : vector<64x768xbf16> to vector<64x64xbf16>
    %dot_general3A_769 = arith.constant dense<0.000000e+00> : vector<64x64xf32>
    %dot_general3A_770 = tpu.matmul %slice3A_767, %slice3A_768, %dot_general3A_769 {dimension_numbers = #tpu.dot_dimension_numbers<[1], [0], [0], [1], [0, 0, 1, 1], [], []>, transpose_lhs_hint = false} : vector<64x64xbf16>, vector<64x64xbf16>, vector<64x64xf32> -> vector<64x64xf32>
    %swap3A_771 = arith.constant 2 : index
    %swap3A_772 = arith.constant 0 : index
    %swap3A_773 = arith.constant 192 : index
    %swap3A_774 = vector.load %arg5[%swap3A_771, %swap3A_772, %swap3A_773] : memref<4x64x768xf32, #tpu.memory_space<vmem>>, vector<1x64x64xf32>
    %swap3A_775 = vector.shape_cast %swap3A_774 : vector<1x64x64xf32> to vector<64x64xf32>
    %swap3A_776 = vector.shape_cast %dot_general3A_770 : vector<64x64xf32> to vector<1x64x64xf32>
    tpu.vector_store %arg5[%swap3A_771, %swap3A_772, %swap3A_773], %swap3A_776 {strides = array<i32>} : memref<4x64x768xf32, #tpu.memory_space<vmem>>, vector<1x64x64xf32>,
    %slice3A_777 = vector.extract_strided_slice %convert_element_type3A_703 {offsets = [0, 256], sizes = [64, 64], strides = [1, 1]} : vector<64x768xbf16> to vector<64x64xbf16>
    %slice3A_778 = vector.extract_strided_slice %convert_element_type3A_704 {offsets = [0, 256], sizes = [64, 64], strides = [1, 1]} : vector<64x768xbf16> to vector<64x64xbf16>
    %dot_general3A_779 = arith.constant dense<0.000000e+00> : vector<64x64xf32>
    %dot_general3A_780 = tpu.matmul %slice3A_777, %slice3A_778, %dot_general3A_779 {dimension_numbers = #tpu.dot_dimension_numbers<[1], [1], [0], [0], [0, 0, 1, 0], [], []>, transpose_lhs_hint = false} : vector<64x64xbf16>, vector<64x64xbf16>, vector<64x64xf32> -> vector<64x64xf32>
    %slice3A_781 = vector.extract_strided_slice %convert_element_type3A_703 {offsets = [0, 320], sizes = [64, 64], strides = [1, 1]} : vector<64x768xbf16> to vector<64x64xbf16>
    %slice3A_782 = vector.extract_strided_slice %convert_element_type3A_704 {offsets = [0, 320], sizes = [64, 64], strides = [1, 1]} : vector<64x768xbf16> to vector<64x64xbf16>
    %dot_general3A_783 = arith.constant dense<0.000000e+00> : vector<64x64xf32>
    %dot_general3A_784 = tpu.matmul %slice3A_781, %slice3A_782, %dot_general3A_783 {dimension_numbers = #tpu.dot_dimension_numbers<[1], [1], [0], [0], [0, 0, 1, 0], [], []>, transpose_lhs_hint = false} : vector<64x64xbf16>, vector<64x64xbf16>, vector<64x64xf32> -> vector<64x64xf32>
    %slice3A_785 = vector.extract_strided_slice %convert_element_type3A_703 {offsets = [0, 384], sizes = [64, 64], strides = [1, 1]} : vector<64x768xbf16> to vector<64x64xbf16>
    %slice3A_786 = vector.extract_strided_slice %convert_element_type3A_704 {offsets = [0, 384], sizes = [64, 64], strides = [1, 1]} : vector<64x768xbf16> to vector<64x64xbf16>
    %dot_general3A_787 = arith.constant dense<0.000000e+00> : vector<64x64xf32>
    %dot_general3A_788 = tpu.matmul %slice3A_785, %slice3A_786, %dot_general3A_787 {dimension_numbers = #tpu.dot_dimension_numbers<[1], [1], [0], [0], [0, 0, 1, 0], [], []>, transpose_lhs_hint = false} : vector<64x64xbf16>, vector<64x64xbf16>, vector<64x64xf32> -> vector<64x64xf32>
    %slice3A_789 = vector.extract_strided_slice %convert_element_type3A_703 {offsets = [0, 448], sizes = [64, 64], strides = [1, 1]} : vector<64x768xbf16> to vector<64x64xbf16>
    %slice3A_790 = vector.extract_strided_slice %convert_element_type3A_704 {offsets = [0, 448], sizes = [64, 64], strides = [1, 1]} : vector<64x768xbf16> to vector<64x64xbf16>
    %dot_general3A_791 = arith.constant dense<0.000000e+00> : vector<64x64xf32>
    %dot_general3A_792 = tpu.matmul %slice3A_789, %slice3A_790, %dot_general3A_791 {dimension_numbers = #tpu.dot_dimension_numbers<[1], [1], [0], [0], [0, 0, 1, 0], [], []>, transpose_lhs_hint = false} : vector<64x64xbf16>, vector<64x64xbf16>, vector<64x64xf32> -> vector<64x64xf32>
    %concatenate3A_793 = tpu.concatenate %dot_general3A_780, %dot_general3A_784, %dot_general3A_788, %dot_general3A_792 in 1 : vector<64x64xf32>, vector<64x64xf32>, vector<64x64xf32>, vector<64x64xf32> -> vector<64x256xf32>
    %reshape3A_794 = vector.shape_cast %concatenate3A_793 : vector<64x256xf32> to vector<64x4x64xf32>
    %reduce_max3A_795 = arith.constant dense<0xFF800000> : vector<64x4xf32>
    %reduce_max3A_796 = vector.multi_reduction <maximumf>, %reshape3A_794, %reduce_max3A_795 [2] : vector<64x4x64xf32> to vector<64x4xf32>
    %broadcast_in_dim3A_797 = vector.shape_cast %reduce_max3A_796 : vector<64x4xf32> to vector<64x4x1xf32>
    %sub3A_798 = vector.broadcast %broadcast_in_dim3A_797 : vector<64x4x1xf32> to vector<64x4x64xf32>
    %sub3A_799 = arith.subf %reshape3A_794, %sub3A_798 : vector<64x4x64xf32>
    %exp3A_800 = math.exp %sub3A_799 : vector<64x4x64xf32>
    %reduce_sum3A_801 = arith.constant dense<0.000000e+00> : vector<64x4xf32>
    %reduce_sum3A_802 = vector.multi_reduction <add>, %exp3A_800, %reduce_sum3A_801 [2] : vector<64x4x64xf32> to vector<64x4xf32>
    %broadcast_in_dim3A_803 = vector.shape_cast %reduce_sum3A_802 : vector<64x4xf32> to vector<64x4x1xf32>
    %div3A_804 = vector.broadcast %broadcast_in_dim3A_803 : vector<64x4x1xf32> to vector<64x4x64xf32>
    %div3A_805 = arith.divf %exp3A_800, %div3A_804 : vector<64x4x64xf32>
    %reshape3A_806 = vector.shape_cast %div3A_805 : vector<64x4x64xf32> to vector<64x256xf32>
    %convert_element_type3A_807 = arith.truncf %reshape3A_806 : vector<64x256xf32> to vector<64x256xbf16>
    %slice3A_808 = vector.extract_strided_slice %convert_element_type3A_807 {offsets = [0, 0], sizes = [64, 64], strides = [1, 1]} : vector<64x256xbf16> to vector<64x64xbf16>
    %slice3A_809 = vector.extract_strided_slice %convert_element_type3A_705 {offsets = [0, 256], sizes = [64, 64], strides = [1, 1]} : vector<64x768xbf16> to vector<64x64xbf16>
    %dot_general3A_810 = arith.constant dense<0.000000e+00> : vector<64x64xf32>
    %dot_general3A_811 = tpu.matmul %slice3A_808, %slice3A_809, %dot_general3A_810 {dimension_numbers = #tpu.dot_dimension_numbers<[1], [0], [0], [1], [0, 0, 1, 1], [], []>, transpose_lhs_hint = false} : vector<64x64xbf16>, vector<64x64xbf16>, vector<64x64xf32> -> vector<64x64xf32>
    %swap3A_812 = arith.constant 2 : index
    %swap3A_813 = arith.constant 0 : index
    %swap3A_814 = arith.constant 256 : index
    %swap3A_815 = vector.load %arg5[%swap3A_812, %swap3A_813, %swap3A_814] : memref<4x64x768xf32, #tpu.memory_space<vmem>>, vector<1x64x64xf32>
    %swap3A_816 = vector.shape_cast %swap3A_815 : vector<1x64x64xf32> to vector<64x64xf32>
    %swap3A_817 = vector.shape_cast %dot_general3A_811 : vector<64x64xf32> to vector<1x64x64xf32>
    tpu.vector_store %arg5[%swap3A_812, %swap3A_813, %swap3A_814], %swap3A_817 {strides = array<i32>} : memref<4x64x768xf32, #tpu.memory_space<vmem>>, vector<1x64x64xf32>,
    %slice3A_818 = vector.extract_strided_slice %convert_element_type3A_807 {offsets = [0, 64], sizes = [64, 64], strides = [1, 1]} : vector<64x256xbf16> to vector<64x64xbf16>
    %slice3A_819 = vector.extract_strided_slice %convert_element_type3A_705 {offsets = [0, 320], sizes = [64, 64], strides = [1, 1]} : vector<64x768xbf16> to vector<64x64xbf16>
    %dot_general3A_820 = arith.constant dense<0.000000e+00> : vector<64x64xf32>
    %dot_general3A_821 = tpu.matmul %slice3A_818, %slice3A_819, %dot_general3A_820 {dimension_numbers = #tpu.dot_dimension_numbers<[1], [0], [0], [1], [0, 0, 1, 1], [], []>, transpose_lhs_hint = false} : vector<64x64xbf16>, vector<64x64xbf16>, vector<64x64xf32> -> vector<64x64xf32>
    %swap3A_822 = arith.constant 2 : index
    %swap3A_823 = arith.constant 0 : index
    %swap3A_824 = arith.constant 320 : index
    %swap3A_825 = vector.load %arg5[%swap3A_822, %swap3A_823, %swap3A_824] : memref<4x64x768xf32, #tpu.memory_space<vmem>>, vector<1x64x64xf32>
    %swap3A_826 = vector.shape_cast %swap3A_825 : vector<1x64x64xf32> to vector<64x64xf32>
    %swap3A_827 = vector.shape_cast %dot_general3A_821 : vector<64x64xf32> to vector<1x64x64xf32>
    tpu.vector_store %arg5[%swap3A_822, %swap3A_823, %swap3A_824], %swap3A_827 {strides = array<i32>} : memref<4x64x768xf32, #tpu.memory_space<vmem>>, vector<1x64x64xf32>,
    %slice3A_828 = vector.extract_strided_slice %convert_element_type3A_807 {offsets = [0, 128], sizes = [64, 64], strides = [1, 1]} : vector<64x256xbf16> to vector<64x64xbf16>
    %slice3A_829 = vector.extract_strided_slice %convert_element_type3A_705 {offsets = [0, 384], sizes = [64, 64], strides = [1, 1]} : vector<64x768xbf16> to vector<64x64xbf16>
    %dot_general3A_830 = arith.constant dense<0.000000e+00> : vector<64x64xf32>
    %dot_general3A_831 = tpu.matmul %slice3A_828, %slice3A_829, %dot_general3A_830 {dimension_numbers = #tpu.dot_dimension_numbers<[1], [0], [0], [1], [0, 0, 1, 1], [], []>, transpose_lhs_hint = false} : vector<64x64xbf16>, vector<64x64xbf16>, vector<64x64xf32> -> vector<64x64xf32>
    %swap3A_832 = arith.constant 2 : index
    %swap3A_833 = arith.constant 0 : index
    %swap3A_834 = arith.constant 384 : index
    %swap3A_835 = vector.load %arg5[%swap3A_832, %swap3A_833, %swap3A_834] : memref<4x64x768xf32, #tpu.memory_space<vmem>>, vector<1x64x64xf32>
    %swap3A_836 = vector.shape_cast %swap3A_835 : vector<1x64x64xf32> to vector<64x64xf32>
    %swap3A_837 = vector.shape_cast %dot_general3A_831 : vector<64x64xf32> to vector<1x64x64xf32>
    tpu.vector_store %arg5[%swap3A_832, %swap3A_833, %swap3A_834], %swap3A_837 {strides = array<i32>} : memref<4x64x768xf32, #tpu.memory_space<vmem>>, vector<1x64x64xf32>,
    %slice3A_838 = vector.extract_strided_slice %convert_element_type3A_807 {offsets = [0, 192], sizes = [64, 64], strides = [1, 1]} : vector<64x256xbf16> to vector<64x64xbf16>
    %slice3A_839 = vector.extract_strided_slice %convert_element_type3A_705 {offsets = [0, 448], sizes = [64, 64], strides = [1, 1]} : vector<64x768xbf16> to vector<64x64xbf16>
    %dot_general3A_840 = arith.constant dense<0.000000e+00> : vector<64x64xf32>
    %dot_general3A_841 = tpu.matmul %slice3A_838, %slice3A_839, %dot_general3A_840 {dimension_numbers = #tpu.dot_dimension_numbers<[1], [0], [0], [1], [0, 0, 1, 1], [], []>, transpose_lhs_hint = false} : vector<64x64xbf16>, vector<64x64xbf16>, vector<64x64xf32> -> vector<64x64xf32>
    %swap3A_842 = arith.constant 2 : index
    %swap3A_843 = arith.constant 0 : index
    %swap3A_844 = arith.constant 448 : index
    %swap3A_845 = vector.load %arg5[%swap3A_842, %swap3A_843, %swap3A_844] : memref<4x64x768xf32, #tpu.memory_space<vmem>>, vector<1x64x64xf32>
    %swap3A_846 = vector.shape_cast %swap3A_845 : vector<1x64x64xf32> to vector<64x64xf32>
    %swap3A_847 = vector.shape_cast %dot_general3A_841 : vector<64x64xf32> to vector<1x64x64xf32>
    tpu.vector_store %arg5[%swap3A_842, %swap3A_843, %swap3A_844], %swap3A_847 {strides = array<i32>} : memref<4x64x768xf32, #tpu.memory_space<vmem>>, vector<1x64x64xf32>,
    %slice3A_848 = vector.extract_strided_slice %convert_element_type3A_703 {offsets = [0, 512], sizes = [64, 64], strides = [1, 1]} : vector<64x768xbf16> to vector<64x64xbf16>
    %slice3A_849 = vector.extract_strided_slice %convert_element_type3A_704 {offsets = [0, 512], sizes = [64, 64], strides = [1, 1]} : vector<64x768xbf16> to vector<64x64xbf16>
    %dot_general3A_850 = arith.constant dense<0.000000e+00> : vector<64x64xf32>
    %dot_general3A_851 = tpu.matmul %slice3A_848, %slice3A_849, %dot_general3A_850 {dimension_numbers = #tpu.dot_dimension_numbers<[1], [1], [0], [0], [0, 0, 1, 0], [], []>, transpose_lhs_hint = false} : vector<64x64xbf16>, vector<64x64xbf16>, vector<64x64xf32> -> vector<64x64xf32>
    %slice3A_852 = vector.extract_strided_slice %convert_element_type3A_703 {offsets = [0, 576], sizes = [64, 64], strides = [1, 1]} : vector<64x768xbf16> to vector<64x64xbf16>
    %slice3A_853 = vector.extract_strided_slice %convert_element_type3A_704 {offsets = [0, 576], sizes = [64, 64], strides = [1, 1]} : vector<64x768xbf16> to vector<64x64xbf16>
    %dot_general3A_854 = arith.constant dense<0.000000e+00> : vector<64x64xf32>
    %dot_general3A_855 = tpu.matmul %slice3A_852, %slice3A_853, %dot_general3A_854 {dimension_numbers = #tpu.dot_dimension_numbers<[1], [1], [0], [0], [0, 0, 1, 0], [], []>, transpose_lhs_hint = false} : vector<64x64xbf16>, vector<64x64xbf16>, vector<64x64xf32> -> vector<64x64xf32>
    %slice3A_856 = vector.extract_strided_slice %convert_element_type3A_703 {offsets = [0, 640], sizes = [64, 64], strides = [1, 1]} : vector<64x768xbf16> to vector<64x64xbf16>
    %slice3A_857 = vector.extract_strided_slice %convert_element_type3A_704 {offsets = [0, 640], sizes = [64, 64], strides = [1, 1]} : vector<64x768xbf16> to vector<64x64xbf16>
    %dot_general3A_858 = arith.constant dense<0.000000e+00> : vector<64x64xf32>
    %dot_general3A_859 = tpu.matmul %slice3A_856, %slice3A_857, %dot_general3A_858 {dimension_numbers = #tpu.dot_dimension_numbers<[1], [1], [0], [0], [0, 0, 1, 0], [], []>, transpose_lhs_hint = false} : vector<64x64xbf16>, vector<64x64xbf16>, vector<64x64xf32> -> vector<64x64xf32>
    %slice3A_860 = vector.extract_strided_slice %convert_element_type3A_703 {offsets = [0, 704], sizes = [64, 64], strides = [1, 1]} : vector<64x768xbf16> to vector<64x64xbf16>
    %slice3A_861 = vector.extract_strided_slice %convert_element_type3A_704 {offsets = [0, 704], sizes = [64, 64], strides = [1, 1]} : vector<64x768xbf16> to vector<64x64xbf16>
    %dot_general3A_862 = arith.constant dense<0.000000e+00> : vector<64x64xf32>
    %dot_general3A_863 = tpu.matmul %slice3A_860, %slice3A_861, %dot_general3A_862 {dimension_numbers = #tpu.dot_dimension_numbers<[1], [1], [0], [0], [0, 0, 1, 0], [], []>, transpose_lhs_hint = false} : vector<64x64xbf16>, vector<64x64xbf16>, vector<64x64xf32> -> vector<64x64xf32>
    %concatenate3A_864 = tpu.concatenate %dot_general3A_851, %dot_general3A_855, %dot_general3A_859, %dot_general3A_863 in 1 : vector<64x64xf32>, vector<64x64xf32>, vector<64x64xf32>, vector<64x64xf32> -> vector<64x256xf32>
    %reshape3A_865 = vector.shape_cast %concatenate3A_864 : vector<64x256xf32> to vector<64x4x64xf32>
    %reduce_max3A_866 = arith.constant dense<0xFF800000> : vector<64x4xf32>
    %reduce_max3A_867 = vector.multi_reduction <maximumf>, %reshape3A_865, %reduce_max3A_866 [2] : vector<64x4x64xf32> to vector<64x4xf32>
    %broadcast_in_dim3A_868 = vector.shape_cast %reduce_max3A_867 : vector<64x4xf32> to vector<64x4x1xf32>
    %sub3A_869 = vector.broadcast %broadcast_in_dim3A_868 : vector<64x4x1xf32> to vector<64x4x64xf32>
    %sub3A_870 = arith.subf %reshape3A_865, %sub3A_869 : vector<64x4x64xf32>
    %exp3A_871 = math.exp %sub3A_870 : vector<64x4x64xf32>
    %reduce_sum3A_872 = arith.constant dense<0.000000e+00> : vector<64x4xf32>
    %reduce_sum3A_873 = vector.multi_reduction <add>, %exp3A_871, %reduce_sum3A_872 [2] : vector<64x4x64xf32> to vector<64x4xf32>
    %broadcast_in_dim3A_874 = vector.shape_cast %reduce_sum3A_873 : vector<64x4xf32> to vector<64x4x1xf32>
    %div3A_875 = vector.broadcast %broadcast_in_dim3A_874 : vector<64x4x1xf32> to vector<64x4x64xf32>
    %div3A_876 = arith.divf %exp3A_871, %div3A_875 : vector<64x4x64xf32>
    %reshape3A_877 = vector.shape_cast %div3A_876 : vector<64x4x64xf32> to vector<64x256xf32>
    %convert_element_type3A_878 = arith.truncf %reshape3A_877 : vector<64x256xf32> to vector<64x256xbf16>
    %slice3A_879 = vector.extract_strided_slice %convert_element_type3A_878 {offsets = [0, 0], sizes = [64, 64], strides = [1, 1]} : vector<64x256xbf16> to vector<64x64xbf16>
    %slice3A_880 = vector.extract_strided_slice %convert_element_type3A_705 {offsets = [0, 512], sizes = [64, 64], strides = [1, 1]} : vector<64x768xbf16> to vector<64x64xbf16>
    %dot_general3A_881 = arith.constant dense<0.000000e+00> : vector<64x64xf32>
    %dot_general3A_882 = tpu.matmul %slice3A_879, %slice3A_880, %dot_general3A_881 {dimension_numbers = #tpu.dot_dimension_numbers<[1], [0], [0], [1], [0, 0, 1, 1], [], []>, transpose_lhs_hint = false} : vector<64x64xbf16>, vector<64x64xbf16>, vector<64x64xf32> -> vector<64x64xf32>
    %swap3A_883 = arith.constant 2 : index
    %swap3A_884 = arith.constant 0 : index
    %swap3A_885 = arith.constant 512 : index
    %swap3A_886 = vector.load %arg5[%swap3A_883, %swap3A_884, %swap3A_885] : memref<4x64x768xf32, #tpu.memory_space<vmem>>, vector<1x64x64xf32>
    %swap3A_887 = vector.shape_cast %swap3A_886 : vector<1x64x64xf32> to vector<64x64xf32>
    %swap3A_888 = vector.shape_cast %dot_general3A_882 : vector<64x64xf32> to vector<1x64x64xf32>
    tpu.vector_store %arg5[%swap3A_883, %swap3A_884, %swap3A_885], %swap3A_888 {strides = array<i32>} : memref<4x64x768xf32, #tpu.memory_space<vmem>>, vector<1x64x64xf32>,
    %slice3A_889 = vector.extract_strided_slice %convert_element_type3A_878 {offsets = [0, 64], sizes = [64, 64], strides = [1, 1]} : vector<64x256xbf16> to vector<64x64xbf16>
    %slice3A_890 = vector.extract_strided_slice %convert_element_type3A_705 {offsets = [0, 576], sizes = [64, 64], strides = [1, 1]} : vector<64x768xbf16> to vector<64x64xbf16>
    %dot_general3A_891 = arith.constant dense<0.000000e+00> : vector<64x64xf32>
    %dot_general3A_892 = tpu.matmul %slice3A_889, %slice3A_890, %dot_general3A_891 {dimension_numbers = #tpu.dot_dimension_numbers<[1], [0], [0], [1], [0, 0, 1, 1], [], []>, transpose_lhs_hint = false} : vector<64x64xbf16>, vector<64x64xbf16>, vector<64x64xf32> -> vector<64x64xf32>
    %swap3A_893 = arith.constant 2 : index
    %swap3A_894 = arith.constant 0 : index
    %swap3A_895 = arith.constant 576 : index
    %swap3A_896 = vector.load %arg5[%swap3A_893, %swap3A_894, %swap3A_895] : memref<4x64x768xf32, #tpu.memory_space<vmem>>, vector<1x64x64xf32>
    %swap3A_897 = vector.shape_cast %swap3A_896 : vector<1x64x64xf32> to vector<64x64xf32>
    %swap3A_898 = vector.shape_cast %dot_general3A_892 : vector<64x64xf32> to vector<1x64x64xf32>
    tpu.vector_store %arg5[%swap3A_893, %swap3A_894, %swap3A_895], %swap3A_898 {strides = array<i32>} : memref<4x64x768xf32, #tpu.memory_space<vmem>>, vector<1x64x64xf32>,
    %slice3A_899 = vector.extract_strided_slice %convert_element_type3A_878 {offsets = [0, 128], sizes = [64, 64], strides = [1, 1]} : vector<64x256xbf16> to vector<64x64xbf16>
    %slice3A_900 = vector.extract_strided_slice %convert_element_type3A_705 {offsets = [0, 640], sizes = [64, 64], strides = [1, 1]} : vector<64x768xbf16> to vector<64x64xbf16>
    %dot_general3A_901 = arith.constant dense<0.000000e+00> : vector<64x64xf32>
    %dot_general3A_902 = tpu.matmul %slice3A_899, %slice3A_900, %dot_general3A_901 {dimension_numbers = #tpu.dot_dimension_numbers<[1], [0], [0], [1], [0, 0, 1, 1], [], []>, transpose_lhs_hint = false} : vector<64x64xbf16>, vector<64x64xbf16>, vector<64x64xf32> -> vector<64x64xf32>
    %swap3A_903 = arith.constant 2 : index
    %swap3A_904 = arith.constant 0 : index
    %swap3A_905 = arith.constant 640 : index
    %swap3A_906 = vector.load %arg5[%swap3A_903, %swap3A_904, %swap3A_905] : memref<4x64x768xf32, #tpu.memory_space<vmem>>, vector<1x64x64xf32>
    %swap3A_907 = vector.shape_cast %swap3A_906 : vector<1x64x64xf32> to vector<64x64xf32>
    %swap3A_908 = vector.shape_cast %dot_general3A_902 : vector<64x64xf32> to vector<1x64x64xf32>
    tpu.vector_store %arg5[%swap3A_903, %swap3A_904, %swap3A_905], %swap3A_908 {strides = array<i32>} : memref<4x64x768xf32, #tpu.memory_space<vmem>>, vector<1x64x64xf32>,
    %slice3A_909 = vector.extract_strided_slice %convert_element_type3A_878 {offsets = [0, 192], sizes = [64, 64], strides = [1, 1]} : vector<64x256xbf16> to vector<64x64xbf16>
    %slice3A_910 = vector.extract_strided_slice %convert_element_type3A_705 {offsets = [0, 704], sizes = [64, 64], strides = [1, 1]} : vector<64x768xbf16> to vector<64x64xbf16>
    %dot_general3A_911 = arith.constant dense<0.000000e+00> : vector<64x64xf32>
    %dot_general3A_912 = tpu.matmul %slice3A_909, %slice3A_910, %dot_general3A_911 {dimension_numbers = #tpu.dot_dimension_numbers<[1], [0], [0], [1], [0, 0, 1, 1], [], []>, transpose_lhs_hint = false} : vector<64x64xbf16>, vector<64x64xbf16>, vector<64x64xf32> -> vector<64x64xf32>
    %swap3A_913 = arith.constant 2 : index
    %swap3A_914 = arith.constant 0 : index
    %swap3A_915 = arith.constant 704 : index
    %swap3A_916 = vector.load %arg5[%swap3A_913, %swap3A_914, %swap3A_915] : memref<4x64x768xf32, #tpu.memory_space<vmem>>, vector<1x64x64xf32>
    %swap3A_917 = vector.shape_cast %swap3A_916 : vector<1x64x64xf32> to vector<64x64xf32>
    %swap3A_918 = vector.shape_cast %dot_general3A_912 : vector<64x64xf32> to vector<1x64x64xf32>
    tpu.vector_store %arg5[%swap3A_913, %swap3A_914, %swap3A_915], %swap3A_918 {strides = array<i32>} : memref<4x64x768xf32, #tpu.memory_space<vmem>>, vector<1x64x64xf32>,
    %mul3A_919 = arith.constant 4 : i32
    %mul3A_920 = arith.muli %arg0, %mul3A_919 : i32
    %add3A_921 = arith.constant 3 : i32
    %add3A_922 = arith.addi %mul3A_920, %add3A_921 : i32
    %jit3A_923 = arith.constant 16 : i32
    %div3A_924 = arith.divsi %add3A_922, %jit3A_923 : i32
    %sign3A_925 = arith.constant 0 : i32
    %sign3A_926 = arith.cmpi sgt, %add3A_922, %sign3A_925 : i32
    %sign3A_927 = arith.extui %sign3A_926 : i1 to i32
    %sign3A_928 = arith.constant 0 : i32
    %sign3A_929 = arith.cmpi slt, %add3A_922, %sign3A_928 : i32
    %sign3A_930 = arith.extui %sign3A_929 : i1 to i32
    %sign3A_931 = arith.subi %sign3A_927, %sign3A_930 : i32
    %sign3A_932 = arith.constant 0 : i32
    %sign3A_933 = arith.cmpi sgt, %jit3A_923, %sign3A_932 : i32
    %sign3A_934 = arith.extui %sign3A_933 : i1 to i32
    %sign3A_935 = arith.constant 0 : i32
    %sign3A_936 = arith.cmpi slt, %jit3A_923, %sign3A_935 : i32
    %sign3A_937 = arith.extui %sign3A_936 : i1 to i32
    %sign3A_938 = arith.subi %sign3A_934, %sign3A_937 : i32
    %ne3A_939 = arith.cmpi ne, %sign3A_931, %sign3A_938 : i32
    %rem3A_940 = arith.remsi %add3A_922, %jit3A_923 : i32
    %ne3A_941 = arith.constant 0 : i32
    %ne3A_942 = arith.cmpi ne, %rem3A_940, %ne3A_941 : i32
    %and3A_943 = arith.andi %ne3A_939, %ne3A_942 : i1
    %sub3A_944 = arith.constant 1 : i32
    %sub3A_945 = arith.subi %div3A_924, %sub3A_944 : i32
    %select_n3A_946 = arith.select %and3A_943, %sub3A_945, %div3A_924 : i32
    %jit3A_947 = arith.constant 16 : i32
    %eq3A_948 = arith.constant 0 : i32
    %eq3A_949 = arith.cmpi eq, %jit3A_947, %eq3A_948 : i32
    %jit3A_950 = arith.constant 1 : i32
    %select_n3A_951 = arith.select %eq3A_949, %jit3A_950, %jit3A_947 : i32
    %rem3A_952 = arith.remsi %add3A_922, %select_n3A_951 : i32
    %ne3A_953 = arith.constant 0 : i32
    %ne3A_954 = arith.cmpi ne, %rem3A_952, %ne3A_953 : i32
    %lt3A_955 = arith.constant 0 : i32
    %lt3A_956 = arith.cmpi slt, %rem3A_952, %lt3A_955 : i32
    %lt3A_957 = arith.constant 0 : i32
    %lt3A_958 = arith.cmpi slt, %select_n3A_951, %lt3A_957 : i32
    %ne3A_959 = arith.xori %lt3A_956, %lt3A_958 : i1
    %and3A_960 = arith.andi %ne3A_959, %ne3A_954 : i1
    %add3A_961 = arith.addi %rem3A_952, %select_n3A_951 : i32
    %select_n3A_962 = arith.select %and3A_960, %add3A_961, %rem3A_952 : i32
    %mul3A_963 = arith.constant 32 : i32
    %mul3A_964 = arith.muli %select_n3A_946, %mul3A_963 : i32
    %add3A_965 = arith.addi %mul3A_964, %select_n3A_962 : i32
    %get3A_966 = arith.index_cast %add3A_965 : i32 to index
    %get3A_967 = memref.load %arg1[%get3A_966] : memref<128xi32, #tpu.memory_space<smem>>
    %mul3A_968 = arith.constant 32 : i32
    %mul3A_969 = arith.muli %select_n3A_946, %mul3A_968 : i32
    %add3A_970 = arith.constant 16 : i32
    %add3A_971 = arith.addi %mul3A_969, %add3A_970 : i32
    %add3A_972 = arith.addi %add3A_971, %select_n3A_962 : i32
    %get3A_973 = arith.index_cast %add3A_972 : i32 to index
    %get3A_974 = memref.load %arg1[%get3A_973] : memref<128xi32, #tpu.memory_space<smem>>
    %mul3A_975 = arith.constant 32 : i32
    %mul3A_976 = arith.muli %select_n3A_946, %mul3A_975 : i32
    %add3A_977 = arith.addi %mul3A_976, %select_n3A_962 : i32
    %get3A_978 = arith.index_cast %add3A_977 : i32 to index
    %get3A_979 = memref.load %arg2[%get3A_978] : memref<128xf32, #tpu.memory_space<smem>>
    %mul3A_980 = arith.constant 32 : i32
    %mul3A_981 = arith.muli %select_n3A_946, %mul3A_980 : i32
    %add3A_982 = arith.constant 16 : i32
    %add3A_983 = arith.addi %mul3A_981, %add3A_982 : i32
    %add3A_984 = arith.addi %add3A_983, %select_n3A_962 : i32
    %get3A_985 = arith.index_cast %add3A_984 : i32 to index
    %get3A_986 = memref.load %arg2[%get3A_985] : memref<128xf32, #tpu.memory_space<smem>>
    %get3A_987 = arith.constant 3 : index
    %get3A_988 = arith.constant 0 : index
    %get3A_989 = arith.constant 0 : index
    %get3A_990 = vector.load %arg3[%get3A_987, %get3A_988, %get3A_989] : memref<4x64x768xbf16, #tpu.memory_space<vmem>>, vector<1x64x768xbf16>
    %get3A_991 = vector.shape_cast %get3A_990 : vector<1x64x768xbf16> to vector<64x768xbf16>
    %get3A_992 = arith.index_cast %get3A_967 : i32 to index
    %get3A_993 = arith.constant 0 : index
    %get3A_994 = arith.constant 0 : index
    %get3A_995 = vector.load %arg4[%get3A_992, %get3A_993, %get3A_994] : memref<8x2304x768xbf16, #tpu.memory_space<vmem>>, vector<1x2304x768xbf16>
    %get3A_996 = vector.shape_cast %get3A_995 : vector<1x2304x768xbf16> to vector<2304x768xbf16>
    %dot_general3A_997 = arith.constant dense<0.000000e+00> : vector<64x2304xf32>
    %dot_general3A_998 = tpu.matmul %get3A_991, %get3A_996, %dot_general3A_997 {dimension_numbers = #tpu.dot_dimension_numbers<[1], [1], [0], [0], [0, 0, 1, 0], [], []>, transpose_lhs_hint = false} : vector<64x768xbf16>, vector<2304x768xbf16>, vector<64x2304xf32> -> vector<64x2304xf32>
    %get3A_999 = arith.index_cast %get3A_974 : i32 to index
    %get3A_1000 = arith.constant 0 : index
    %get3A_1001 = arith.constant 0 : index
    %get3A_1002 = vector.load %arg4[%get3A_999, %get3A_1000, %get3A_1001] : memref<8x2304x768xbf16, #tpu.memory_space<vmem>>, vector<1x2304x768xbf16>
    %get3A_1003 = vector.shape_cast %get3A_1002 : vector<1x2304x768xbf16> to vector<2304x768xbf16>
    %dot_general3A_1004 = arith.constant dense<0.000000e+00> : vector<64x2304xf32>
    %dot_general3A_1005 = tpu.matmul %get3A_991, %get3A_1003, %dot_general3A_1004 {dimension_numbers = #tpu.dot_dimension_numbers<[1], [1], [0], [0], [0, 0, 1, 0], [], []>, transpose_lhs_hint = false} : vector<64x768xbf16>, vector<2304x768xbf16>, vector<64x2304xf32> -> vector<64x2304xf32>
    %mul3A_1006 = vector.broadcast %get3A_979 : f32 to vector<64x2304xf32>
    %mul3A_1007 = arith.mulf %mul3A_1006, %dot_general3A_998 : vector<64x2304xf32>
    %mul3A_1008 = vector.broadcast %get3A_986 : f32 to vector<64x2304xf32>
    %mul3A_1009 = arith.mulf %mul3A_1008, %dot_general3A_1005 : vector<64x2304xf32>
    %add3A_1010 = arith.addf %mul3A_1007, %mul3A_1009 : vector<64x2304xf32>
    %slice3A_1011 = vector.extract_strided_slice %add3A_1010 {offsets = [0, 0], sizes = [64, 768], strides = [1, 1]} : vector<64x2304xf32> to vector<64x768xf32>
    %slice3A_1012 = vector.extract_strided_slice %add3A_1010 {offsets = [0, 768], sizes = [64, 768], strides = [1, 1]} : vector<64x2304xf32> to vector<64x768xf32>
    %slice3A_1013 = vector.extract_strided_slice %add3A_1010 {offsets = [0, 1536], sizes = [64, 768], strides = [1, 1]} : vector<64x2304xf32> to vector<64x768xf32>
    %mul3A_1014 = arith.constant 1.250000e-01 : f32
    %mul3A_1015 = vector.broadcast %mul3A_1014 : f32 to vector<64x768xf32>
    %mul3A_1016 = arith.mulf %slice3A_1011, %mul3A_1015 : vector<64x768xf32>
    %convert_element_type3A_1017 = arith.truncf %mul3A_1016 : vector<64x768xf32> to vector<64x768xbf16>
    %convert_element_type3A_1018 = arith.truncf %slice3A_1012 : vector<64x768xf32> to vector<64x768xbf16>
    %convert_element_type3A_1019 = arith.truncf %slice3A_1013 : vector<64x768xf32> to vector<64x768xbf16>
    %slice3A_1020 = vector.extract_strided_slice %convert_element_type3A_1017 {offsets = [0, 0], sizes = [64, 64], strides = [1, 1]} : vector<64x768xbf16> to vector<64x64xbf16>
    %slice3A_1021 = vector.extract_strided_slice %convert_element_type3A_1018 {offsets = [0, 0], sizes = [64, 64], strides = [1, 1]} : vector<64x768xbf16> to vector<64x64xbf16>
    %dot_general3A_1022 = arith.constant dense<0.000000e+00> : vector<64x64xf32>
    %dot_general3A_1023 = tpu.matmul %slice3A_1020, %slice3A_1021, %dot_general3A_1022 {dimension_numbers = #tpu.dot_dimension_numbers<[1], [1], [0], [0], [0, 0, 1, 0], [], []>, transpose_lhs_hint = false} : vector<64x64xbf16>, vector<64x64xbf16>, vector<64x64xf32> -> vector<64x64xf32>
    %slice3A_1024 = vector.extract_strided_slice %convert_element_type3A_1017 {offsets = [0, 64], sizes = [64, 64], strides = [1, 1]} : vector<64x768xbf16> to vector<64x64xbf16>
    %slice3A_1025 = vector.extract_strided_slice %convert_element_type3A_1018 {offsets = [0, 64], sizes = [64, 64], strides = [1, 1]} : vector<64x768xbf16> to vector<64x64xbf16>
    %dot_general3A_1026 = arith.constant dense<0.000000e+00> : vector<64x64xf32>
    %dot_general3A_1027 = tpu.matmul %slice3A_1024, %slice3A_1025, %dot_general3A_1026 {dimension_numbers = #tpu.dot_dimension_numbers<[1], [1], [0], [0], [0, 0, 1, 0], [], []>, transpose_lhs_hint = false} : vector<64x64xbf16>, vector<64x64xbf16>, vector<64x64xf32> -> vector<64x64xf32>
    %slice3A_1028 = vector.extract_strided_slice %convert_element_type3A_1017 {offsets = [0, 128], sizes = [64, 64], strides = [1, 1]} : vector<64x768xbf16> to vector<64x64xbf16>
    %slice3A_1029 = vector.extract_strided_slice %convert_element_type3A_1018 {offsets = [0, 128], sizes = [64, 64], strides = [1, 1]} : vector<64x768xbf16> to vector<64x64xbf16>
    %dot_general3A_1030 = arith.constant dense<0.000000e+00> : vector<64x64xf32>
    %dot_general3A_1031 = tpu.matmul %slice3A_1028, %slice3A_1029, %dot_general3A_1030 {dimension_numbers = #tpu.dot_dimension_numbers<[1], [1], [0], [0], [0, 0, 1, 0], [], []>, transpose_lhs_hint = false} : vector<64x64xbf16>, vector<64x64xbf16>, vector<64x64xf32> -> vector<64x64xf32>
    %slice3A_1032 = vector.extract_strided_slice %convert_element_type3A_1017 {offsets = [0, 192], sizes = [64, 64], strides = [1, 1]} : vector<64x768xbf16> to vector<64x64xbf16>
    %slice3A_1033 = vector.extract_strided_slice %convert_element_type3A_1018 {offsets = [0, 192], sizes = [64, 64], strides = [1, 1]} : vector<64x768xbf16> to vector<64x64xbf16>
    %dot_general3A_1034 = arith.constant dense<0.000000e+00> : vector<64x64xf32>
    %dot_general3A_1035 = tpu.matmul %slice3A_1032, %slice3A_1033, %dot_general3A_1034 {dimension_numbers = #tpu.dot_dimension_numbers<[1], [1], [0], [0], [0, 0, 1, 0], [], []>, transpose_lhs_hint = false} : vector<64x64xbf16>, vector<64x64xbf16>, vector<64x64xf32> -> vector<64x64xf32>
    %concatenate3A_1036 = tpu.concatenate %dot_general3A_1023, %dot_general3A_1027, %dot_general3A_1031, %dot_general3A_1035 in 1 : vector<64x64xf32>, vector<64x64xf32>, vector<64x64xf32>, vector<64x64xf32> -> vector<64x256xf32>
    %reshape3A_1037 = vector.shape_cast %concatenate3A_1036 : vector<64x256xf32> to vector<64x4x64xf32>
    %reduce_max3A_1038 = arith.constant dense<0xFF800000> : vector<64x4xf32>
    %reduce_max3A_1039 = vector.multi_reduction <maximumf>, %reshape3A_1037, %reduce_max3A_1038 [2] : vector<64x4x64xf32> to vector<64x4xf32>
    %broadcast_in_dim3A_1040 = vector.shape_cast %reduce_max3A_1039 : vector<64x4xf32> to vector<64x4x1xf32>
    %sub3A_1041 = vector.broadcast %broadcast_in_dim3A_1040 : vector<64x4x1xf32> to vector<64x4x64xf32>
    %sub3A_1042 = arith.subf %reshape3A_1037, %sub3A_1041 : vector<64x4x64xf32>
    %exp3A_1043 = math.exp %sub3A_1042 : vector<64x4x64xf32>
    %reduce_sum3A_1044 = arith.constant dense<0.000000e+00> : vector<64x4xf32>
    %reduce_sum3A_1045 = vector.multi_reduction <add>, %exp3A_1043, %reduce_sum3A_1044 [2] : vector<64x4x64xf32> to vector<64x4xf32>
    %broadcast_in_dim3A_1046 = vector.shape_cast %reduce_sum3A_1045 : vector<64x4xf32> to vector<64x4x1xf32>
    %div3A_1047 = vector.broadcast %broadcast_in_dim3A_1046 : vector<64x4x1xf32> to vector<64x4x64xf32>
    %div3A_1048 = arith.divf %exp3A_1043, %div3A_1047 : vector<64x4x64xf32>
    %reshape3A_1049 = vector.shape_cast %div3A_1048 : vector<64x4x64xf32> to vector<64x256xf32>
    %convert_element_type3A_1050 = arith.truncf %reshape3A_1049 : vector<64x256xf32> to vector<64x256xbf16>
    %slice3A_1051 = vector.extract_strided_slice %convert_element_type3A_1050 {offsets = [0, 0], sizes = [64, 64], strides = [1, 1]} : vector<64x256xbf16> to vector<64x64xbf16>
    %slice3A_1052 = vector.extract_strided_slice %convert_element_type3A_1019 {offsets = [0, 0], sizes = [64, 64], strides = [1, 1]} : vector<64x768xbf16> to vector<64x64xbf16>
    %dot_general3A_1053 = arith.constant dense<0.000000e+00> : vector<64x64xf32>
    %dot_general3A_1054 = tpu.matmul %slice3A_1051, %slice3A_1052, %dot_general3A_1053 {dimension_numbers = #tpu.dot_dimension_numbers<[1], [0], [0], [1], [0, 0, 1, 1], [], []>, transpose_lhs_hint = false} : vector<64x64xbf16>, vector<64x64xbf16>, vector<64x64xf32> -> vector<64x64xf32>
    %swap3A_1055 = arith.constant 3 : index
    %swap3A_1056 = arith.constant 0 : index
    %swap3A_1057 = arith.constant 0 : index
    %swap3A_1058 = vector.load %arg5[%swap3A_1055, %swap3A_1056, %swap3A_1057] : memref<4x64x768xf32, #tpu.memory_space<vmem>>, vector<1x64x64xf32>
    %swap3A_1059 = vector.shape_cast %swap3A_1058 : vector<1x64x64xf32> to vector<64x64xf32>
    %swap3A_1060 = vector.shape_cast %dot_general3A_1054 : vector<64x64xf32> to vector<1x64x64xf32>
    tpu.vector_store %arg5[%swap3A_1055, %swap3A_1056, %swap3A_1057], %swap3A_1060 {strides = array<i32>} : memref<4x64x768xf32, #tpu.memory_space<vmem>>, vector<1x64x64xf32>,
    %slice3A_1061 = vector.extract_strided_slice %convert_element_type3A_1050 {offsets = [0, 64], sizes = [64, 64], strides = [1, 1]} : vector<64x256xbf16> to vector<64x64xbf16>
    %slice3A_1062 = vector.extract_strided_slice %convert_element_type3A_1019 {offsets = [0, 64], sizes = [64, 64], strides = [1, 1]} : vector<64x768xbf16> to vector<64x64xbf16>
    %dot_general3A_1063 = arith.constant dense<0.000000e+00> : vector<64x64xf32>
    %dot_general3A_1064 = tpu.matmul %slice3A_1061, %slice3A_1062, %dot_general3A_1063 {dimension_numbers = #tpu.dot_dimension_numbers<[1], [0], [0], [1], [0, 0, 1, 1], [], []>, transpose_lhs_hint = false} : vector<64x64xbf16>, vector<64x64xbf16>, vector<64x64xf32> -> vector<64x64xf32>
    %swap3A_1065 = arith.constant 3 : index
    %swap3A_1066 = arith.constant 0 : index
    %swap3A_1067 = arith.constant 64 : index
    %swap3A_1068 = vector.load %arg5[%swap3A_1065, %swap3A_1066, %swap3A_1067] : memref<4x64x768xf32, #tpu.memory_space<vmem>>, vector<1x64x64xf32>
    %swap3A_1069 = vector.shape_cast %swap3A_1068 : vector<1x64x64xf32> to vector<64x64xf32>
    %swap3A_1070 = vector.shape_cast %dot_general3A_1064 : vector<64x64xf32> to vector<1x64x64xf32>
    tpu.vector_store %arg5[%swap3A_1065, %swap3A_1066, %swap3A_1067], %swap3A_1070 {strides = array<i32>} : memref<4x64x768xf32, #tpu.memory_space<vmem>>, vector<1x64x64xf32>,
    %slice3A_1071 = vector.extract_strided_slice %convert_element_type3A_1050 {offsets = [0, 128], sizes = [64, 64], strides = [1, 1]} : vector<64x256xbf16> to vector<64x64xbf16>
    %slice3A_1072 = vector.extract_strided_slice %convert_element_type3A_1019 {offsets = [0, 128], sizes = [64, 64], strides = [1, 1]} : vector<64x768xbf16> to vector<64x64xbf16>
    %dot_general3A_1073 = arith.constant dense<0.000000e+00> : vector<64x64xf32>
    %dot_general3A_1074 = tpu.matmul %slice3A_1071, %slice3A_1072, %dot_general3A_1073 {dimension_numbers = #tpu.dot_dimension_numbers<[1], [0], [0], [1], [0, 0, 1, 1], [], []>, transpose_lhs_hint = false} : vector<64x64xbf16>, vector<64x64xbf16>, vector<64x64xf32> -> vector<64x64xf32>
    %swap3A_1075 = arith.constant 3 : index
    %swap3A_1076 = arith.constant 0 : index
    %swap3A_1077 = arith.constant 128 : index
    %swap3A_1078 = vector.load %arg5[%swap3A_1075, %swap3A_1076, %swap3A_1077] : memref<4x64x768xf32, #tpu.memory_space<vmem>>, vector<1x64x64xf32>
    %swap3A_1079 = vector.shape_cast %swap3A_1078 : vector<1x64x64xf32> to vector<64x64xf32>
    %swap3A_1080 = vector.shape_cast %dot_general3A_1074 : vector<64x64xf32> to vector<1x64x64xf32>
    tpu.vector_store %arg5[%swap3A_1075, %swap3A_1076, %swap3A_1077], %swap3A_1080 {strides = array<i32>} : memref<4x64x768xf32, #tpu.memory_space<vmem>>, vector<1x64x64xf32>,
    %slice3A_1081 = vector.extract_strided_slice %convert_element_type3A_1050 {offsets = [0, 192], sizes = [64, 64], strides = [1, 1]} : vector<64x256xbf16> to vector<64x64xbf16>
    %slice3A_1082 = vector.extract_strided_slice %convert_element_type3A_1019 {offsets = [0, 192], sizes = [64, 64], strides = [1, 1]} : vector<64x768xbf16> to vector<64x64xbf16>
    %dot_general3A_1083 = arith.constant dense<0.000000e+00> : vector<64x64xf32>
    %dot_general3A_1084 = tpu.matmul %slice3A_1081, %slice3A_1082, %dot_general3A_1083 {dimension_numbers = #tpu.dot_dimension_numbers<[1], [0], [0], [1], [0, 0, 1, 1], [], []>, transpose_lhs_hint = false} : vector<64x64xbf16>, vector<64x64xbf16>, vector<64x64xf32> -> vector<64x64xf32>
    %swap3A_1085 = arith.constant 3 : index
    %swap3A_1086 = arith.constant 0 : index
    %swap3A_1087 = arith.constant 192 : index
    %swap3A_1088 = vector.load %arg5[%swap3A_1085, %swap3A_1086, %swap3A_1087] : memref<4x64x768xf32, #tpu.memory_space<vmem>>, vector<1x64x64xf32>
    %swap3A_1089 = vector.shape_cast %swap3A_1088 : vector<1x64x64xf32> to vector<64x64xf32>
    %swap3A_1090 = vector.shape_cast %dot_general3A_1084 : vector<64x64xf32> to vector<1x64x64xf32>
    tpu.vector_store %arg5[%swap3A_1085, %swap3A_1086, %swap3A_1087], %swap3A_1090 {strides = array<i32>} : memref<4x64x768xf32, #tpu.memory_space<vmem>>, vector<1x64x64xf32>,
    %slice3A_1091 = vector.extract_strided_slice %convert_element_type3A_1017 {offsets = [0, 256], sizes = [64, 64], strides = [1, 1]} : vector<64x768xbf16> to vector<64x64xbf16>
    %slice3A_1092 = vector.extract_strided_slice %convert_element_type3A_1018 {offsets = [0, 256], sizes = [64, 64], strides = [1, 1]} : vector<64x768xbf16> to vector<64x64xbf16>
    %dot_general3A_1093 = arith.constant dense<0.000000e+00> : vector<64x64xf32>
    %dot_general3A_1094 = tpu.matmul %slice3A_1091, %slice3A_1092, %dot_general3A_1093 {dimension_numbers = #tpu.dot_dimension_numbers<[1], [1], [0], [0], [0, 0, 1, 0], [], []>, transpose_lhs_hint = false} : vector<64x64xbf16>, vector<64x64xbf16>, vector<64x64xf32> -> vector<64x64xf32>
    %slice3A_1095 = vector.extract_strided_slice %convert_element_type3A_1017 {offsets = [0, 320], sizes = [64, 64], strides = [1, 1]} : vector<64x768xbf16> to vector<64x64xbf16>
    %slice3A_1096 = vector.extract_strided_slice %convert_element_type3A_1018 {offsets = [0, 320], sizes = [64, 64], strides = [1, 1]} : vector<64x768xbf16> to vector<64x64xbf16>
    %dot_general3A_1097 = arith.constant dense<0.000000e+00> : vector<64x64xf32>
    %dot_general3A_1098 = tpu.matmul %slice3A_1095, %slice3A_1096, %dot_general3A_1097 {dimension_numbers = #tpu.dot_dimension_numbers<[1], [1], [0], [0], [0, 0, 1, 0], [], []>, transpose_lhs_hint = false} : vector<64x64xbf16>, vector<64x64xbf16>, vector<64x64xf32> -> vector<64x64xf32>
    %slice3A_1099 = vector.extract_strided_slice %convert_element_type3A_1017 {offsets = [0, 384], sizes = [64, 64], strides = [1, 1]} : vector<64x768xbf16> to vector<64x64xbf16>
    %slice3A_1100 = vector.extract_strided_slice %convert_element_type3A_1018 {offsets = [0, 384], sizes = [64, 64], strides = [1, 1]} : vector<64x768xbf16> to vector<64x64xbf16>
    %dot_general3A_1101 = arith.constant dense<0.000000e+00> : vector<64x64xf32>
    %dot_general3A_1102 = tpu.matmul %slice3A_1099, %slice3A_1100, %dot_general3A_1101 {dimension_numbers = #tpu.dot_dimension_numbers<[1], [1], [0], [0], [0, 0, 1, 0], [], []>, transpose_lhs_hint = false} : vector<64x64xbf16>, vector<64x64xbf16>, vector<64x64xf32> -> vector<64x64xf32>
    %slice3A_1103 = vector.extract_strided_slice %convert_element_type3A_1017 {offsets = [0, 448], sizes = [64, 64], strides = [1, 1]} : vector<64x768xbf16> to vector<64x64xbf16>
    %slice3A_1104 = vector.extract_strided_slice %convert_element_type3A_1018 {offsets = [0, 448], sizes = [64, 64], strides = [1, 1]} : vector<64x768xbf16> to vector<64x64xbf16>
    %dot_general3A_1105 = arith.constant dense<0.000000e+00> : vector<64x64xf32>
    %dot_general3A_1106 = tpu.matmul %slice3A_1103, %slice3A_1104, %dot_general3A_1105 {dimension_numbers = #tpu.dot_dimension_numbers<[1], [1], [0], [0], [0, 0, 1, 0], [], []>, transpose_lhs_hint = false} : vector<64x64xbf16>, vector<64x64xbf16>, vector<64x64xf32> -> vector<64x64xf32>
    %concatenate3A_1107 = tpu.concatenate %dot_general3A_1094, %dot_general3A_1098, %dot_general3A_1102, %dot_general3A_1106 in 1 : vector<64x64xf32>, vector<64x64xf32>, vector<64x64xf32>, vector<64x64xf32> -> vector<64x256xf32>
    %reshape3A_1108 = vector.shape_cast %concatenate3A_1107 : vector<64x256xf32> to vector<64x4x64xf32>
    %reduce_max3A_1109 = arith.constant dense<0xFF800000> : vector<64x4xf32>
    %reduce_max3A_1110 = vector.multi_reduction <maximumf>, %reshape3A_1108, %reduce_max3A_1109 [2] : vector<64x4x64xf32> to vector<64x4xf32>
    %broadcast_in_dim3A_1111 = vector.shape_cast %reduce_max3A_1110 : vector<64x4xf32> to vector<64x4x1xf32>
    %sub3A_1112 = vector.broadcast %broadcast_in_dim3A_1111 : vector<64x4x1xf32> to vector<64x4x64xf32>
    %sub3A_1113 = arith.subf %reshape3A_1108, %sub3A_1112 : vector<64x4x64xf32>
    %exp3A_1114 = math.exp %sub3A_1113 : vector<64x4x64xf32>
    %reduce_sum3A_1115 = arith.constant dense<0.000000e+00> : vector<64x4xf32>
    %reduce_sum3A_1116 = vector.multi_reduction <add>, %exp3A_1114, %reduce_sum3A_1115 [2] : vector<64x4x64xf32> to vector<64x4xf32>
    %broadcast_in_dim3A_1117 = vector.shape_cast %reduce_sum3A_1116 : vector<64x4xf32> to vector<64x4x1xf32>
    %div3A_1118 = vector.broadcast %broadcast_in_dim3A_1117 : vector<64x4x1xf32> to vector<64x4x64xf32>
    %div3A_1119 = arith.divf %exp3A_1114, %div3A_1118 : vector<64x4x64xf32>
    %reshape3A_1120 = vector.shape_cast %div3A_1119 : vector<64x4x64xf32> to vector<64x256xf32>
    %convert_element_type3A_1121 = arith.truncf %reshape3A_1120 : vector<64x256xf32> to vector<64x256xbf16>
    %slice3A_1122 = vector.extract_strided_slice %convert_element_type3A_1121 {offsets = [0, 0], sizes = [64, 64], strides = [1, 1]} : vector<64x256xbf16> to vector<64x64xbf16>
    %slice3A_1123 = vector.extract_strided_slice %convert_element_type3A_1019 {offsets = [0, 256], sizes = [64, 64], strides = [1, 1]} : vector<64x768xbf16> to vector<64x64xbf16>
    %dot_general3A_1124 = arith.constant dense<0.000000e+00> : vector<64x64xf32>
    %dot_general3A_1125 = tpu.matmul %slice3A_1122, %slice3A_1123, %dot_general3A_1124 {dimension_numbers = #tpu.dot_dimension_numbers<[1], [0], [0], [1], [0, 0, 1, 1], [], []>, transpose_lhs_hint = false} : vector<64x64xbf16>, vector<64x64xbf16>, vector<64x64xf32> -> vector<64x64xf32>
    %swap3A_1126 = arith.constant 3 : index
    %swap3A_1127 = arith.constant 0 : index
    %swap3A_1128 = arith.constant 256 : index
    %swap3A_1129 = vector.load %arg5[%swap3A_1126, %swap3A_1127, %swap3A_1128] : memref<4x64x768xf32, #tpu.memory_space<vmem>>, vector<1x64x64xf32>
    %swap3A_1130 = vector.shape_cast %swap3A_1129 : vector<1x64x64xf32> to vector<64x64xf32>
    %swap3A_1131 = vector.shape_cast %dot_general3A_1125 : vector<64x64xf32> to vector<1x64x64xf32>
    tpu.vector_store %arg5[%swap3A_1126, %swap3A_1127, %swap3A_1128], %swap3A_1131 {strides = array<i32>} : memref<4x64x768xf32, #tpu.memory_space<vmem>>, vector<1x64x64xf32>,
    %slice3A_1132 = vector.extract_strided_slice %convert_element_type3A_1121 {offsets = [0, 64], sizes = [64, 64], strides = [1, 1]} : vector<64x256xbf16> to vector<64x64xbf16>
    %slice3A_1133 = vector.extract_strided_slice %convert_element_type3A_1019 {offsets = [0, 320], sizes = [64, 64], strides = [1, 1]} : vector<64x768xbf16> to vector<64x64xbf16>
    %dot_general3A_1134 = arith.constant dense<0.000000e+00> : vector<64x64xf32>
    %dot_general3A_1135 = tpu.matmul %slice3A_1132, %slice3A_1133, %dot_general3A_1134 {dimension_numbers = #tpu.dot_dimension_numbers<[1], [0], [0], [1], [0, 0, 1, 1], [], []>, transpose_lhs_hint = false} : vector<64x64xbf16>, vector<64x64xbf16>, vector<64x64xf32> -> vector<64x64xf32>
    %swap3A_1136 = arith.constant 3 : index
    %swap3A_1137 = arith.constant 0 : index
    %swap3A_1138 = arith.constant 320 : index
    %swap3A_1139 = vector.load %arg5[%swap3A_1136, %swap3A_1137, %swap3A_1138] : memref<4x64x768xf32, #tpu.memory_space<vmem>>, vector<1x64x64xf32>
    %swap3A_1140 = vector.shape_cast %swap3A_1139 : vector<1x64x64xf32> to vector<64x64xf32>
    %swap3A_1141 = vector.shape_cast %dot_general3A_1135 : vector<64x64xf32> to vector<1x64x64xf32>
    tpu.vector_store %arg5[%swap3A_1136, %swap3A_1137, %swap3A_1138], %swap3A_1141 {strides = array<i32>} : memref<4x64x768xf32, #tpu.memory_space<vmem>>, vector<1x64x64xf32>,
    %slice3A_1142 = vector.extract_strided_slice %convert_element_type3A_1121 {offsets = [0, 128], sizes = [64, 64], strides = [1, 1]} : vector<64x256xbf16> to vector<64x64xbf16>
    %slice3A_1143 = vector.extract_strided_slice %convert_element_type3A_1019 {offsets = [0, 384], sizes = [64, 64], strides = [1, 1]} : vector<64x768xbf16> to vector<64x64xbf16>
    %dot_general3A_1144 = arith.constant dense<0.000000e+00> : vector<64x64xf32>
    %dot_general3A_1145 = tpu.matmul %slice3A_1142, %slice3A_1143, %dot_general3A_1144 {dimension_numbers = #tpu.dot_dimension_numbers<[1], [0], [0], [1], [0, 0, 1, 1], [], []>, transpose_lhs_hint = false} : vector<64x64xbf16>, vector<64x64xbf16>, vector<64x64xf32> -> vector<64x64xf32>
    %swap3A_1146 = arith.constant 3 : index
    %swap3A_1147 = arith.constant 0 : index
    %swap3A_1148 = arith.constant 384 : index
    %swap3A_1149 = vector.load %arg5[%swap3A_1146, %swap3A_1147, %swap3A_1148] : memref<4x64x768xf32, #tpu.memory_space<vmem>>, vector<1x64x64xf32>
    %swap3A_1150 = vector.shape_cast %swap3A_1149 : vector<1x64x64xf32> to vector<64x64xf32>
    %swap3A_1151 = vector.shape_cast %dot_general3A_1145 : vector<64x64xf32> to vector<1x64x64xf32>
    tpu.vector_store %arg5[%swap3A_1146, %swap3A_1147, %swap3A_1148], %swap3A_1151 {strides = array<i32>} : memref<4x64x768xf32, #tpu.memory_space<vmem>>, vector<1x64x64xf32>,
    %slice3A_1152 = vector.extract_strided_slice %convert_element_type3A_1121 {offsets = [0, 192], sizes = [64, 64], strides = [1, 1]} : vector<64x256xbf16> to vector<64x64xbf16>
    %slice3A_1153 = vector.extract_strided_slice %convert_element_type3A_1019 {offsets = [0, 448], sizes = [64, 64], strides = [1, 1]} : vector<64x768xbf16> to vector<64x64xbf16>
    %dot_general3A_1154 = arith.constant dense<0.000000e+00> : vector<64x64xf32>
    %dot_general3A_1155 = tpu.matmul %slice3A_1152, %slice3A_1153, %dot_general3A_1154 {dimension_numbers = #tpu.dot_dimension_numbers<[1], [0], [0], [1], [0, 0, 1, 1], [], []>, transpose_lhs_hint = false} : vector<64x64xbf16>, vector<64x64xbf16>, vector<64x64xf32> -> vector<64x64xf32>
    %swap3A_1156 = arith.constant 3 : index
    %swap3A_1157 = arith.constant 0 : index
    %swap3A_1158 = arith.constant 448 : index
    %swap3A_1159 = vector.load %arg5[%swap3A_1156, %swap3A_1157, %swap3A_1158] : memref<4x64x768xf32, #tpu.memory_space<vmem>>, vector<1x64x64xf32>
    %swap3A_1160 = vector.shape_cast %swap3A_1159 : vector<1x64x64xf32> to vector<64x64xf32>
    %swap3A_1161 = vector.shape_cast %dot_general3A_1155 : vector<64x64xf32> to vector<1x64x64xf32>
    tpu.vector_store %arg5[%swap3A_1156, %swap3A_1157, %swap3A_1158], %swap3A_1161 {strides = array<i32>} : memref<4x64x768xf32, #tpu.memory_space<vmem>>, vector<1x64x64xf32>,
    %slice3A_1162 = vector.extract_strided_slice %convert_element_type3A_1017 {offsets = [0, 512], sizes = [64, 64], strides = [1, 1]} : vector<64x768xbf16> to vector<64x64xbf16>
    %slice3A_1163 = vector.extract_strided_slice %convert_element_type3A_1018 {offsets = [0, 512], sizes = [64, 64], strides = [1, 1]} : vector<64x768xbf16> to vector<64x64xbf16>
    %dot_general3A_1164 = arith.constant dense<0.000000e+00> : vector<64x64xf32>
    %dot_general3A_1165 = tpu.matmul %slice3A_1162, %slice3A_1163, %dot_general3A_1164 {dimension_numbers = #tpu.dot_dimension_numbers<[1], [1], [0], [0], [0, 0, 1, 0], [], []>, transpose_lhs_hint = false} : vector<64x64xbf16>, vector<64x64xbf16>, vector<64x64xf32> -> vector<64x64xf32>
    %slice3A_1166 = vector.extract_strided_slice %convert_element_type3A_1017 {offsets = [0, 576], sizes = [64, 64], strides = [1, 1]} : vector<64x768xbf16> to vector<64x64xbf16>
    %slice3A_1167 = vector.extract_strided_slice %convert_element_type3A_1018 {offsets = [0, 576], sizes = [64, 64], strides = [1, 1]} : vector<64x768xbf16> to vector<64x64xbf16>
    %dot_general3A_1168 = arith.constant dense<0.000000e+00> : vector<64x64xf32>
    %dot_general3A_1169 = tpu.matmul %slice3A_1166, %slice3A_1167, %dot_general3A_1168 {dimension_numbers = #tpu.dot_dimension_numbers<[1], [1], [0], [0], [0, 0, 1, 0], [], []>, transpose_lhs_hint = false} : vector<64x64xbf16>, vector<64x64xbf16>, vector<64x64xf32> -> vector<64x64xf32>
    %slice3A_1170 = vector.extract_strided_slice %convert_element_type3A_1017 {offsets = [0, 640], sizes = [64, 64], strides = [1, 1]} : vector<64x768xbf16> to vector<64x64xbf16>
    %slice3A_1171 = vector.extract_strided_slice %convert_element_type3A_1018 {offsets = [0, 640], sizes = [64, 64], strides = [1, 1]} : vector<64x768xbf16> to vector<64x64xbf16>
    %dot_general3A_1172 = arith.constant dense<0.000000e+00> : vector<64x64xf32>
    %dot_general3A_1173 = tpu.matmul %slice3A_1170, %slice3A_1171, %dot_general3A_1172 {dimension_numbers = #tpu.dot_dimension_numbers<[1], [1], [0], [0], [0, 0, 1, 0], [], []>, transpose_lhs_hint = false} : vector<64x64xbf16>, vector<64x64xbf16>, vector<64x64xf32> -> vector<64x64xf32>
    %slice3A_1174 = vector.extract_strided_slice %convert_element_type3A_1017 {offsets = [0, 704], sizes = [64, 64], strides = [1, 1]} : vector<64x768xbf16> to vector<64x64xbf16>
    %slice3A_1175 = vector.extract_strided_slice %convert_element_type3A_1018 {offsets = [0, 704], sizes = [64, 64], strides = [1, 1]} : vector<64x768xbf16> to vector<64x64xbf16>
    %dot_general3A_1176 = arith.constant dense<0.000000e+00> : vector<64x64xf32>
    %dot_general3A_1177 = tpu.matmul %slice3A_1174, %slice3A_1175, %dot_general3A_1176 {dimension_numbers = #tpu.dot_dimension_numbers<[1], [1], [0], [0], [0, 0, 1, 0], [], []>, transpose_lhs_hint = false} : vector<64x64xbf16>, vector<64x64xbf16>, vector<64x64xf32> -> vector<64x64xf32>
    %concatenate3A_1178 = tpu.concatenate %dot_general3A_1165, %dot_general3A_1169, %dot_general3A_1173, %dot_general3A_1177 in 1 : vector<64x64xf32>, vector<64x64xf32>, vector<64x64xf32>, vector<64x64xf32> -> vector<64x256xf32>
    %reshape3A_1179 = vector.shape_cast %concatenate3A_1178 : vector<64x256xf32> to vector<64x4x64xf32>
    %reduce_max3A_1180 = arith.constant dense<0xFF800000> : vector<64x4xf32>
    %reduce_max3A_1181 = vector.multi_reduction <maximumf>, %reshape3A_1179, %reduce_max3A_1180 [2] : vector<64x4x64xf32> to vector<64x4xf32>
    %broadcast_in_dim3A_1182 = vector.shape_cast %reduce_max3A_1181 : vector<64x4xf32> to vector<64x4x1xf32>
    %sub3A_1183 = vector.broadcast %broadcast_in_dim3A_1182 : vector<64x4x1xf32> to vector<64x4x64xf32>
    %sub3A_1184 = arith.subf %reshape3A_1179, %sub3A_1183 : vector<64x4x64xf32>
    %exp3A_1185 = math.exp %sub3A_1184 : vector<64x4x64xf32>
    %reduce_sum3A_1186 = arith.constant dense<0.000000e+00> : vector<64x4xf32>
    %reduce_sum3A_1187 = vector.multi_reduction <add>, %exp3A_1185, %reduce_sum3A_1186 [2] : vector<64x4x64xf32> to vector<64x4xf32>
    %broadcast_in_dim3A_1188 = vector.shape_cast %reduce_sum3A_1187 : vector<64x4xf32> to vector<64x4x1xf32>
    %div3A_1189 = vector.broadcast %broadcast_in_dim3A_1188 : vector<64x4x1xf32> to vector<64x4x64xf32>
    %div3A_1190 = arith.divf %exp3A_1185, %div3A_1189 : vector<64x4x64xf32>
    %reshape3A_1191 = vector.shape_cast %div3A_1190 : vector<64x4x64xf32> to vector<64x256xf32>
    %convert_element_type3A_1192 = arith.truncf %reshape3A_1191 : vector<64x256xf32> to vector<64x256xbf16>
    %slice3A_1193 = vector.extract_strided_slice %convert_element_type3A_1192 {offsets = [0, 0], sizes = [64, 64], strides = [1, 1]} : vector<64x256xbf16> to vector<64x64xbf16>
    %slice3A_1194 = vector.extract_strided_slice %convert_element_type3A_1019 {offsets = [0, 512], sizes = [64, 64], strides = [1, 1]} : vector<64x768xbf16> to vector<64x64xbf16>
    %dot_general3A_1195 = arith.constant dense<0.000000e+00> : vector<64x64xf32>
    %dot_general3A_1196 = tpu.matmul %slice3A_1193, %slice3A_1194, %dot_general3A_1195 {dimension_numbers = #tpu.dot_dimension_numbers<[1], [0], [0], [1], [0, 0, 1, 1], [], []>, transpose_lhs_hint = false} : vector<64x64xbf16>, vector<64x64xbf16>, vector<64x64xf32> -> vector<64x64xf32>
    %swap3A_1197 = arith.constant 3 : index
    %swap3A_1198 = arith.constant 0 : index
    %swap3A_1199 = arith.constant 512 : index
    %swap3A_1200 = vector.load %arg5[%swap3A_1197, %swap3A_1198, %swap3A_1199] : memref<4x64x768xf32, #tpu.memory_space<vmem>>, vector<1x64x64xf32>
    %swap3A_1201 = vector.shape_cast %swap3A_1200 : vector<1x64x64xf32> to vector<64x64xf32>
    %swap3A_1202 = vector.shape_cast %dot_general3A_1196 : vector<64x64xf32> to vector<1x64x64xf32>
    tpu.vector_store %arg5[%swap3A_1197, %swap3A_1198, %swap3A_1199], %swap3A_1202 {strides = array<i32>} : memref<4x64x768xf32, #tpu.memory_space<vmem>>, vector<1x64x64xf32>,
    %slice3A_1203 = vector.extract_strided_slice %convert_element_type3A_1192 {offsets = [0, 64], sizes = [64, 64], strides = [1, 1]} : vector<64x256xbf16> to vector<64x64xbf16>
    %slice3A_1204 = vector.extract_strided_slice %convert_element_type3A_1019 {offsets = [0, 576], sizes = [64, 64], strides = [1, 1]} : vector<64x768xbf16> to vector<64x64xbf16>
    %dot_general3A_1205 = arith.constant dense<0.000000e+00> : vector<64x64xf32>
    %dot_general3A_1206 = tpu.matmul %slice3A_1203, %slice3A_1204, %dot_general3A_1205 {dimension_numbers = #tpu.dot_dimension_numbers<[1], [0], [0], [1], [0, 0, 1, 1], [], []>, transpose_lhs_hint = false} : vector<64x64xbf16>, vector<64x64xbf16>, vector<64x64xf32> -> vector<64x64xf32>
    %swap3A_1207 = arith.constant 3 : index
    %swap3A_1208 = arith.constant 0 : index
    %swap3A_1209 = arith.constant 576 : index
    %swap3A_1210 = vector.load %arg5[%swap3A_1207, %swap3A_1208, %swap3A_1209] : memref<4x64x768xf32, #tpu.memory_space<vmem>>, vector<1x64x64xf32>
    %swap3A_1211 = vector.shape_cast %swap3A_1210 : vector<1x64x64xf32> to vector<64x64xf32>
    %swap3A_1212 = vector.shape_cast %dot_general3A_1206 : vector<64x64xf32> to vector<1x64x64xf32>
    tpu.vector_store %arg5[%swap3A_1207, %swap3A_1208, %swap3A_1209], %swap3A_1212 {strides = array<i32>} : memref<4x64x768xf32, #tpu.memory_space<vmem>>, vector<1x64x64xf32>,
    %slice3A_1213 = vector.extract_strided_slice %convert_element_type3A_1192 {offsets = [0, 128], sizes = [64, 64], strides = [1, 1]} : vector<64x256xbf16> to vector<64x64xbf16>
    %slice3A_1214 = vector.extract_strided_slice %convert_element_type3A_1019 {offsets = [0, 640], sizes = [64, 64], strides = [1, 1]} : vector<64x768xbf16> to vector<64x64xbf16>
    %dot_general3A_1215 = arith.constant dense<0.000000e+00> : vector<64x64xf32>
    %dot_general3A_1216 = tpu.matmul %slice3A_1213, %slice3A_1214, %dot_general3A_1215 {dimension_numbers = #tpu.dot_dimension_numbers<[1], [0], [0], [1], [0, 0, 1, 1], [], []>, transpose_lhs_hint = false} : vector<64x64xbf16>, vector<64x64xbf16>, vector<64x64xf32> -> vector<64x64xf32>
    %swap3A_1217 = arith.constant 3 : index
    %swap3A_1218 = arith.constant 0 : index
    %swap3A_1219 = arith.constant 640 : index
    %swap3A_1220 = vector.load %arg5[%swap3A_1217, %swap3A_1218, %swap3A_1219] : memref<4x64x768xf32, #tpu.memory_space<vmem>>, vector<1x64x64xf32>
    %swap3A_1221 = vector.shape_cast %swap3A_1220 : vector<1x64x64xf32> to vector<64x64xf32>
    %swap3A_1222 = vector.shape_cast %dot_general3A_1216 : vector<64x64xf32> to vector<1x64x64xf32>
    tpu.vector_store %arg5[%swap3A_1217, %swap3A_1218, %swap3A_1219], %swap3A_1222 {strides = array<i32>} : memref<4x64x768xf32, #tpu.memory_space<vmem>>, vector<1x64x64xf32>,
    %slice3A_1223 = vector.extract_strided_slice %convert_element_type3A_1192 {offsets = [0, 192], sizes = [64, 64], strides = [1, 1]} : vector<64x256xbf16> to vector<64x64xbf16>
    %slice3A_1224 = vector.extract_strided_slice %convert_element_type3A_1019 {offsets = [0, 704], sizes = [64, 64], strides = [1, 1]} : vector<64x768xbf16> to vector<64x64xbf16>
    %dot_general3A_1225 = arith.constant dense<0.000000e+00> : vector<64x64xf32>
    %dot_general3A_1226 = tpu.matmul %slice3A_1223, %slice3A_1224, %dot_general3A_1225 {dimension_numbers = #tpu.dot_dimension_numbers<[1], [0], [0], [1], [0, 0, 1, 1], [], []>, transpose_lhs_hint = false} : vector<64x64xbf16>, vector<64x64xbf16>, vector<64x64xf32> -> vector<64x64xf32>
    %swap3A_1227 = arith.constant 3 : index
    %swap3A_1228 = arith.constant 0 : index
    %swap3A_1229 = arith.constant 704 : index
    %swap3A_1230 = vector.load %arg5[%swap3A_1227, %swap3A_1228, %swap3A_1229] : memref<4x64x768xf32, #tpu.memory_space<vmem>>, vector<1x64x64xf32>
    %swap3A_1231 = vector.shape_cast %swap3A_1230 : vector<1x64x64xf32> to vector<64x64xf32>
    %swap3A_1232 = vector.shape_cast %dot_general3A_1226 : vector<64x64xf32> to vector<1x64x64xf32>
    tpu.vector_store %arg5[%swap3A_1227, %swap3A_1228, %swap3A_1229], %swap3A_1232 {strides = array<i32>} : memref<4x64x768xf32, #tpu.memory_space<vmem>>, vector<1x64x64xf32>,
    return
  }
  func.func @transform_0(%arg0: i32, %arg1: memref<128xi32, #tpu.memory_space<smem>>, %arg2: memref<128xf32, #tpu.memory_space<smem>>) -> (i32, i32, i32) {
    %c0_i32 = arith.constant 0 : i32
    %c0_i32_0 = arith.constant 0 : i32
    %c0_i32_1 = arith.constant 0 : i32
    return %arg0, %c0_i32, %c0_i32_0 : i32, i32, i32
  }
  func.func @transform_1(%arg0: i32, %arg1: memref<128xi32, #tpu.memory_space<smem>>, %arg2: memref<128xf32, #tpu.memory_space<smem>>) -> (i32, i32, i32) {
    %c0_i32 = arith.constant 0 : i32
    %c0_i32_0 = arith.constant 0 : i32
    %c0_i32_1 = arith.constant 0 : i32
    %c0_i32_2 = arith.constant 0 : i32
    return %c0_i32, %c0_i32_0, %c0_i32_1 : i32, i32, i32
  }
  func.func @transform_2(%arg0: i32, %arg1: memref<128xi32, #tpu.memory_space<smem>>, %arg2: memref<128xf32, #tpu.memory_space<smem>>) -> (i32, i32, i32) {
    %c0_i32 = arith.constant 0 : i32
    %c0_i32_0 = arith.constant 0 : i32
    %c0_i32_1 = arith.constant 0 : i32
    return %arg0, %c0_i32, %c0_i32_0 : i32, i32, i32
  }
}

</mosaic_0001>

<sc_bundles>
// kernel: kernel.5.cloned.1.call-start
scs
__scs_entry_jumppad:
0x0: {  	(pc) =	sbr.rel $0x88, $3  }
0x1: {  	(tag) =	ssettag $0x0;
	lr =	simm.s32 $0x1  }
0x2: {  	[smem:$0x3F99] =	sst lr;
	_ =	strace $0xD0000000  }
0x3: {  	_ = 	snop  }
0x4: {  	_ = 	snop  }
0x5: {  	_ = 	snop  }
0x6: {  	_ = 	snop  }
0x7: {  	_ = 	snop  }
__scs_overlays_trampoline_lowered:
0x8: {  	[smem:$0x3FA8] =	sst s0  }
0x9: {  	[smem:$0x3FA9] =	sst s1  }
0xa: {  	[smem:$0x3FAA] =	sst s2  }
0xb: {  	[smem:$0x3FAB] =	sst s3  }
0xc: {  	[smem:$0x3FAC] =	sst s4  }
0xd: {  	[smem:$0x3FAD] =	sst s5  }
0xe: {  	[smem:$0x3FAE] =	sst s6  }
0xf: {  	[smem:$0x3FAF] =	sst s7  }
0x10: {  	[smem:$0x3FB0] =	sst s8  }
0x11: {  	[smem:$0x3FB1] =	sst s9;
	s0 =	simm.s32 @!p0 $0x0  }
0x12: {  	s1 =	sld [smem:$0x3F97];
	s0 =	simm.s32 @p0 $0x1  }
0x13: {  	[smem:$0x3FB2] =	sst s0;
	s0 =	simm.s32 @!p1 $0x0  }
0x14: {  	s2 =	sld [smem:$0x3F96];
	s0 =	simm.s32 @p1 $0x1  }
0x15: {  	[smem:$0x3FB3] =	sst s0;
	s0 =	simm.s32 @!p2 $0x0  }
0x16: {  	s3 =	sld [smem:$0x3FDB];
	s0 =	simm.s32 @p2 $0x1  }
0x17: {  	s4 =	simm.s32 $0x1BF5;
	[smem:$0x3FB5] =	sst s0  }
0x18: {  	s0 =	sld [smem:$0x3F98];
	_ =	swait.ge [sflag:s4], $0x0  }
0x19: {  	s7 =	sld [smem:$0x3F99]  }
0x1a: {  	s8 =	sadd.s32 $0xFFFFE003, lr  }
0x1b: {  	s9 =	sadd.s32 $0xFFFFFEF7, lr;
	s5 =	simm.s32 $0xFFFFFFFF;
	p2 =	slt.u32 s8, $0xFFFFF086  }
0x1c: {  	p1 =	slt.u32 s9, $0xF7A;
	s5 =	simm.s32 @!p2 $0x0  }
0x1d: {  	s5 =	simm.s32 @p1 $0x1;
	p0 =	seq.s32 s7, s2  }
0x1e: {  	s7 =	smul.u32 @!p0 $0xF7A, s2;
	p2 =	seq.s32 @!p0 s5, $0x0  }
0x1f: {  	s9 =	smul.u32 $0xF7A, s1;
	s8 =	simm.s32 @!p0 $0x1BF5;
	p2 =	por !p2, p0  }
0x20: {  	[sflag:s8] =	ssyncset.s32 @!p0 $0xFFFFF086;
	s6 =	sadd.s32 @!p0 s3, s7;
	s7 =	simm.s32 @!p0 $0x108  }
0x21: {  	s3 =	sadd.s32 s3, s9;
	s6 =	sadd.s32 @!p0 $0x88, s6;
	s7 =	simm.s32 @p2 $0x1082  }
0x22: {  	[simem:s7], [sflag:s8] =	dma.local @!p0 [hbm:s6], $0xF7A  }
0x23: {  	s9 =	sor.u32 $0xD0000000, s2;
	s6 =	simm.s32 $0x108;
	_ =	swait.ge @!p0 [sflag:s8], $0x0  }
0x24: {  	s3 =	sadd.s32 $0x88, s3;
	s6 =	simm.s32 @!p1 $0x1082;
	[sflag:s4] =	ssyncset.s32 $0xFFFFF086  }
0x25: {  	[simem:s6], [sflag:s4] =	dma.local [hbm:s3], $0xF7A  }
0x26: {  	[smem:$0x3F99] =	sst s1;
	(tag) =	ssettag s2;
	_ =	strace s9  }
0x27: {  	s1 =	sld [smem:$0x3FA9]  }
0x28: {  	s2 =	sld [smem:$0x3FAA]  }
0x29: {  	s4 =	sld [smem:$0x3FAC]  }
0x2a: {  	p0 =	seq.s32 s5, $0x0;
	s5 =	sld [smem:$0x3FAD]  }
0x2b: {  	s6 =	sld [smem:$0x3FAE]  }
0x2c: {  	s7 =	sld [smem:$0x3FAF]  }
0x2d: {  	s3 =	simm.s32 $0x108;
	s8 =	sld [smem:$0x3FB0]  }
0x2e: {  	s3 =	simm.s32 @!p0 $0x1082;
	s9 =	sld [smem:$0x3FB1]  }
0x2f: {  	lr =	sadd.s32 s0, s3;
	s0 =	sld [smem:$0x3FA8]  }
0x30: {  	s3 =	sld [smem:$0x3FAB]  }
0x31: {  	[smem:$0x3FB4] =	sst s10  }
0x32: {  	s10 =	sld [smem:$0x3FB2];
	_ =	sdelay $0x3  }
0x33: {  	p0 =	seq.s32 s10, $0x1;
	s10 =	sld [smem:$0x3FB4];
	_ =	sdelay $0x3  }
0x34: {  	[smem:$0x3FB4] =	sst s10  }
0x35: {  	s10 =	sld [smem:$0x3FB3];
	_ =	sdelay $0x3  }
0x36: {  	p1 =	seq.s32 s10, $0x1;
	s10 =	sld [smem:$0x3FB4];
	_ =	sdelay $0x3  }
0x37: {  	[smem:$0x3FB4] =	sst s10  }
0x38: {  	s10 =	sld [smem:$0x3FB5]  }
0x39: {  	_ = 	snop;
	(pc) =	sbr.ind lr, $3  }
0x3a: {  	_ = 	snop  }
0x3b: {  	_ = 	snop  }
0x3c: {  	p2 =	seq.s32 s10, $0x1;
	s10 =	sld [smem:$0x3FB4]  }
0x3d: {  	_ =	shalt  }
0x3e: {  	_ =	shalt  }
0x3f: {  	_ =	shalt  }
0x40: {  	_ =	shalt  }
0x41: {  	_ =	shalt  }
0x42: {  	_ =	shalt  }
0x43: {  	_ =	shalt  }
0x44: {  	_ =	shalt  }
0x45: {  	_ =	shalt  }
0x46: {  	_ =	shalt  }
0x47: {  	_ =	shalt  }
0x48: {  	_ =	shalt  }
0x49: {  	_ =	shalt  }
0x4a: {  	_ =	shalt  }
0x4b: {  	_ =	shalt  }
0x4c: {  	_ =	shalt  }
0x4d: {  	_ =	shalt  }
0x4e: {  	_ =	shalt  }
0x4f: {  	_ =	shalt  }
0x50: {  	_ =	shalt  }
0x51: {  	_ =	shalt  }
0x52: {  	_ =	shalt  }
0x53: {  	_ =	shalt  }
0x54: {  	_ =	shalt  }
0x55: {  	_ =	shalt  }
0x56: {  	_ =	shalt  }
0x57: {  	_ =	shalt  }
0x58: {  	_ =	shalt  }
0x59: {  	_ =	shalt  }
0x5a: {  	_ =	shalt  }
0x5b: {  	_ =	shalt  }
0x5c: {  	_ =	shalt  }
0x5d: {  	_ =	shalt  }
0x5e: {  	_ =	shalt  }
0x5f: {  	_ =	shalt  }
0x60: {  	_ =	shalt  }
0x61: {  	_ =	shalt  }
0x62: {  	_ =	shalt  }
0x63: {  	_ =	shalt  }
0x64: {  	_ =	shalt  }
0x65: {  	_ =	shalt  }
0x66: {  	_ =	shalt  }
0x67: {  	_ =	shalt  }
0x68: {  	_ =	shalt  }
0x69: {  	_ =	shalt  }
0x6a: {  	_ =	shalt  }
0x6b: {  	_ =	shalt  }
0x6c: {  	_ =	shalt  }
0x6d: {  	_ =	shalt  }
0x6e: {  	_ =	shalt  }
0x6f: {  	_ =	shalt  }
0x70: {  	_ =	shalt  }
0x71: {  	_ =	shalt  }
0x72: {  	_ =	shalt  }
0x73: {  	_ =	shalt  }
0x74: {  	_ =	shalt  }
0x75: {  	_ =	shalt  }
0x76: {  	_ =	shalt  }
0x77: {  	_ =	shalt  }
0x78: {  	_ =	shalt  }
0x79: {  	_ =	shalt  }
0x7a: {  	_ =	shalt  }
0x7b: {  	_ =	shalt  }
0x7c: {  	_ =	shalt  }
0x7d: {  	_ =	shalt  }
0x7e: {  	_ =	shalt  }
0x7f: {  	_ =	shalt  }
0x80: {  	_ =	shalt  }
0x81: {  	_ =	shalt  }
0x82: {  	_ =	shalt  }
0x83: {  	_ =	shalt  }
0x84: {  	_ =	shalt  }
0x85: {  	_ =	shalt  }
0x86: {  	_ =	shalt  }
0x87: {  	_ =	shalt  }
.Lfunc_end0:
.L_simem_size_0:
called_computation_lowered:
.L_overlay_start_0:
0x88: {  	s2 =	sld [smem:$0x3FD9]  }
0x89: {  	s3 =	sld [smem:$0x3FFE];
	_ =	sdelay $0x1  }
0x8a: {  	s1 =	srdreg.scid  }
0x8b: {  	s0 =	sand.u32 $0x1, s1  }
0x8c: {  	s17 =	sshll.u32 s0, $0xA;
	s2 =	sadd.s32 s3, s2  }
0x8d: {  	s2 =	sadd.s32 s2, s17  }
0x8e: {  	[smem:$0x3FC0] =	sst s2  }
0x8f: {  	_ = 	snop  }
0x90: {  	s2 =	sld [smem:$0x3FD0];
	(tm) =	ssettm $0x1  }
0x91: {  	s18 =	sld [smem:$0x3FFB];
	_ =	sdelay $0x3  }
0x92: {  	_ =	strace s18  }
0x93: {  	s3 =	sld [smem:$0x3FFC];
	_ =	sdelay $0x3  }
0x94: {  	_ =	strace s3  }
0x95: {  	s3 =	sld [smem:$0x3FFD];
	_ =	sdelay $0x3  }
0x96: {  	_ =	strace s3  }
0x97: {  	_ =	strace $0x8FFFFFFF  }
0x98: {  	s19 =	sld [smem:$0x3FDB];
	_ =	sdelay $0x1  }
0x99: {  	s4 =	simm.s32 $_scs_section_size  }
0x9a: {  	s5 =	simm.s32 $_size__tile_overlayer_lowered;
	s6 =	simm.s32 $_tile_overlayer_lowered  }
0x9b: {  	s22 =	simm.s32 $0x1BFF;
	s21 =	sshll.u32 s6, $0x1;
	s3 =	sadd.s32 s4, s19  }
0x9c: {  	s7 =	simm.s32 $0x0;
	s20 =	sshll.u32 s5, $0x1;
	s5 =	sadd.s32 s21, s3  }
0x9d: {  	[timem:s7], [sflag:s22] =	dma.local [hbm:s5], s20  }
0x9e: {  	_ =	swait.ge [sflag:s22], s20  }
0x9f: {  	s4 =	ssub.s32 $0x0, s20;
	[sflag:s22] =	ssyncset.done $0x0  }
0xa0: {  	[sflag:s22] =	ssyncadd.s32 s4;
	_ =	sdelay $0x1  }
0xa1: {  	s23 =	simm.s32 $0x1B8B  }
0xa2: {  	_ =	swait.ge [sflag:s23], $0x1  }
0xa3: {  	[sflag:s23] =	ssyncset.done $0x0  }
0xa4: {  	s25 =	simm.s32 $0x1B8E;
	s24 =	sld [smem:$0x3FFE];
	[sflag:s23] =	ssyncadd.s32 $0xFFFFFFFF  }
0xa5: {  	s26 =	simm.s32 $execute0_lowered;
	[smem:$0x3FD2] =	sst s25  }
0xa6: {  	s5 =	sshll.u32 s26, $0x1;
	_ =	strace $0x80000046;
	[dreg:$0x1] =	wrdreg $0xFFFFFFFF  }
0xa7: {  	s28 =	simm.s32 $_size_execute0_lowered;
	s3 =	sadd.s32 s3, s5;
	[dreg:$0x0] =	wrdreg $0x0  }
0xa8: {  	s5 =	sshll.u32 s28, $0x1;
	[dreg:$0x2] =	wrdreg s3  }
0xa9: {  	[dreg:$0x3] =	wrdreg s5  }
0xaa: {  	[dreg:$0x4] =	wrdreg $0xC0  }
0xab: {  	_ =	task [dreg:s7], $0x5FFFF  }
0xac: {  	[dreg:$0x1] =	wrdreg $0xFFFFFFFF  }
0xad: {  	[dreg:$0x0] =	wrdreg $0x60  }
0xae: {  	[dreg:$0x2] =	wrdreg s2  }
0xaf: {  	[dreg:$0x3] =	wrdreg s24  }
0xb0: {  	[dreg:$0x4] =	wrdreg $0x9  }
0xb1: {  	_ =	task.clear_ibuf [dreg:s7], $0x5FFFF;
	_ =	strace $0x90000046  }
0xb2: {  	s29 =	simm.s32 $0x9;
	_ =	strace $0x80000048  }
0xb3: {  	_ =	swait.ge [sflag:s29], $0x1  }
0xb4: {  	[sflag:s29] =	ssyncadd.s32 $0xFFFFFFFF  }
0xb5: {  	_ =	strace $0x90000048  }
0xb6: {  	_ =	sfence  }
0xb7: {  	s30 =	sld [smem:$0x0];
	_ =	sdelay $0x2  }
0xb8: {  	s31 =	sshll.u32 s1, $0xD;
	s1 =	sshrl.u32 s1, $0x2  }
0xb9: {  	s3 =	sand.u32 $0x4000, s31;
	s1 =	sadd.s32 s1, s30  }
0xba: {  	s0 =	sor.u32 s3, s0;
	s1 =	sshll.u32 s1, $0x11  }
0xbb: {  	s0 =	sor.u32 s1, s0  }
0xbc: {  	s0 =	sadd.s32 $0x8F2B, s0  }
0xbd: {  	[sflag:s0] =	ssyncadd.remote.s32 $0x1  }
0xbe: {  	_ =	sfence.sel $0xFFFF  }
0xbf: {  	[dreg:$0x0] =	wrdreg $0xFFFFFFFF;
	(pc) =	sbr.abs _section_cstart, $3  }
0xc0: {  	[dreg:$0x1] =	wrdreg $0xFFFFFFFF  }
0xc1: {  	_ =	task.clear_ibuf [dreg:s7], $0x2FFFF;
	_ =	strace $0x9FFFFFFF  }
0xc2: {  	(tm) =	ssettm $0x7FFFFFFF  }
0xc3: {  	_ =	shalt  }
tec
execute0_lowered:
.L_overlay_start_1:
0x0: {  	(tag) =	ssettag $0x1  }
0x1: {  	s1 =	stileid.u32  }
0x2: {  	p0 =	sgt.u32 s1, $0x1  }
.Ltmp0:
0x3: {  	_ = 	snop;
	(pc) =	sbr.rel @p0 .LBB2_4-.Ltmp0, $4  }
0x4: {  	s3 =	rddreg [dreg:$0x0]  }
0x5: {  	s5 =	rddreg [dreg:$0x1];
	s2 =	simm.s32 $0x0  }
0x6: {  	[smem:$0x7FF] =	sst s2  }
0x7: {  	s0 =	rddreg [dreg:$0x2];
	_ =	strace $0x80000047  }
0x8: {  	s4 =	srdreg.scid  }
0x9: {  	s31 =	sshll.u32 s1, $0x1;
	s6 =	sand.u32 $0x1, s4  }
0xa: {  	s7 =	sor.u32 s6, s31  }
0xb: {  	s4 =	sshll.u32 s7, $0x7  }
0xc: {  	s4 =	sadd.s32 s3, s4;
	s3 =	simm.s32 $0x1  }
0xd: {  	[tilespmem:s2], [sflag:$0x1] =	stream.linear.gather [hbm4b:s4+s2], $0x400, $0x38;
	[tilespmem:$0x600] =	vst v63  }
0xe: {  	_ =	swait.ge [sflag:s3], $0x400  }
0xf: {  	[sflag:s3] =	ssyncset.done $0x0  }
0x10: {  	[sflag:s3] =	ssyncadd.s32 $0xFFFFFC00  }
0x11: {  	v0 =	vld [tilespmem:$0x0]  }
0x12: {  	v1 =	vld [tilespmem:$0x80];
	_ =	sdelay $0x3  }
0x13: {  	v2 =	vld [tilespmem:$0x100];
	vm0 =	vgt.f32 v0, $-Inf  }
0x14: {  	vm1 =	vlt.f32 v1, $-Inf;
	vm2 =	vgt.f32 v1, $-Inf;
	v0 =	vnsel vm0, $0xFF800000, v0  }
0x15: {  	vm2 =	vmor vm2, vm1;
	vm0 =	vgt.f32 v1, v0  }
0x16: {  	v4 =	vld [tilespmem:$0x180];
	v3 =	vnsel vm2, $0xFF800000, v1;
	vm3 =	vmneg vm0  }
0x17: {  	v3 =	vsel vm3, v3, v0  }
0x18: {  	v0 =	vsel vm3, v0, v1;
	vm4 =	vgt.f32 v2, v3  }
0x19: {  	vm1 =	vgt.f32 v2, v0;
	v1 =	vsel vm4, v2, v3;
	v3 =	vld [tilespmem:$0x200]  }
0x1a: {  	v1 =	vsel vm1, v0, v1  }
0x1b: {  	v0 =	vsel vm1, v2, v0;
	vm6 =	vgt.f32 v4, v1  }
0x1c: {  	v2 =	vld [tilespmem:$0x280];
	vm5 =	vgt.f32 v4, v0;
	v1 =	vsel vm6, v4, v1  }
0x1d: {  	v1 =	vsel vm5, v0, v1  }
0x1e: {  	v0 =	vsel vm5, v4, v0;
	vm8 =	vgt.f32 v3, v1  }
0x1f: {  	v61 =	vld [tilespmem:$0x300];
	vm7 =	vgt.f32 v3, v0;
	v1 =	vsel vm8, v3, v1  }
0x20: {  	v1 =	vsel vm7, v0, v1  }
0x21: {  	v0 =	vsel vm7, v3, v0;
	vm10 =	vgt.f32 v2, v1  }
0x22: {  	v3 =	vld [tilespmem:$0x380];
	vm9 =	vgt.f32 v2, v0;
	v1 =	vsel vm10, v2, v1  }
0x23: {  	v1 =	vsel vm9, v0, v1  }
0x24: {  	v0 =	vsel vm9, v2, v0;
	vm12 =	vgt.f32 v61, v1  }
0x25: {  	vm11 =	vgt.f32 v61, v0;
	v1 =	vsel vm12, v61, v1  }
0x26: {  	v1 =	vsel vm11, v0, v1  }
0x27: {  	v0 =	vsel vm11, v61, v0;
	vm13 =	vgt.f32 v3, v1  }
0x28: {  	vm14 =	vgt.f32 v3, v0;
	v1 =	vsel vm13, v3, v1  }
0x29: {  	v1 =	vsel vm14, v0, v1;
	v0 =	vsel vm14, v3, v0  }
0x2a: {  	v0 =	vsub.f32 v1, v0;
	_ =	sdelay $0x1  }
0x2b: {  	v0 =	vmul.f32 $1.442695020e+00, v0;
	_ =	sdelay $0x1  }
0x2c: {  	(erf) = vpow2.f32 v0;
	_ =	sdelay $0x6  }
0x2d: {  	vm2 =	vmand vm2, vm3;
	v0 =	vimm.s32 $0x0  }
0x2e: {  	v1 =	vsel vm2, $0x1, v0  }
0x2f: {  	v3 =	vsel vm0, $0x1, v0;
	v1 =	vsel vm4, $0x2, v1;
	v2 =	vpop (erf)  }
0x30: {  	v1 =	vsel vm1, v3, v1;
	v62 =	vadd.f32 $1.000000000e+00, v2  }
0x31: {  	v3 =	vsel vm1, $0x2, v3;
	v1 =	vsel vm6, $0x3, v1  }
0x32: {  	v1 =	vsel vm5, v3, v1;
	(erf) = vrcp.f32 v62  }
0x33: {  	v3 =	vsel vm5, $0x3, v3;
	v1 =	vsel vm8, $0x4, v1  }
0x34: {  	v1 =	vsel vm7, v3, v1  }
0x35: {  	v3 =	vsel vm7, $0x4, v3;
	v1 =	vsel vm10, $0x5, v1  }
0x36: {  	v1 =	vsel vm9, v3, v1  }
0x37: {  	v3 =	vsel vm9, $0x5, v3;
	v1 =	vsel vm12, $0x6, v1  }
0x38: {  	v1 =	vsel vm11, v3, v1;
	v3 =	vsel vm11, $0x6, v3;
	_ =	sdelay $0x1  }
0x39: {  	v1 =	vsel vm13, $0x7, v1;
	v63 =	vsel vm14, $0x7, v3  }
0x3a: {  	s8 =	ssub.s32 $0x2, s6;
	v1 =	vsel vm14, v3, v1;
	[tilespmem:$0x400] =	vst v63;
	v3 =	vpop (erf)  }
0x3b: {  	s7 =	sshll.u32 s7, $0x5;
	s9 =	sshrl.u32 s8, $0x1;
	[tilespmem:$0x480] =	vst v1;
	v1 =	vmul.f32 v3, v2  }
0x3c: {  	s7 =	sadd.s32 s7, s5;
	s8 =	ssub.s32 s8, s9;
	[tilespmem:$0x500] =	vst v3  }
0x3d: {  	s6 =	simm.s32 $0x400;
	s5 =	sadd.s32 $0x1600, s7;
	s9 =	smax.u32 s8, $0x1;
	[tilespmem:$0x580] =	vst v1  }
0x3e: {  	[hbm4b:s5+s2] =	stream.linear.scatter [tilespmem:s6], [sflag:$0x1], $0x100, $0x38;
	[tilespmem:$0x600] =	vst v63  }
0x3f: {  	p0 =	sne.s32 s9, $0x1;
	_ =	swait.ge [sflag:s3], $0x100  }
.Ltmp1:
0x40: {  	[sflag:s3] =	ssyncset.done $0x0;
	(pc) =	sbr.rel @!p0 .LBB2_3-.Ltmp1, $4  }
0x41: {  	s7 =	sadd.s32 $0x1800, s7;
	s8 =	simm.s32 $0x500;
	[sflag:s3] =	ssyncadd.s32 $0xFFFFFF00  }
0x42: {  	[hbm4b:s7+s2] =	stream.linear.scatter [tilespmem:s8], [sflag:$0x1], $0x100, $0x38;
	[tilespmem:$0x600] =	vst v63  }
0x43: {  	_ =	swait.ge [sflag:s3], $0x100  }
0x44: {  	s9 =	sadd.s32 $0xFFFFFFFF, s9;
	[sflag:s3] =	ssyncset.done $0x0  }
.LBB2_2:
0x45: {  	p0 =	sne.s32 s9, $0x1;
	s9 =	sadd.s32 $0xFFFFFFFF, s9;
	[sflag:s3] =	ssyncadd.s32 $0xFFFFFF00  }
0x46: {  	[tilespmem:s2], [sflag:$0x1] =	stream.linear.gather [hbm4b:s4+s2], $0x400, $0x38;
	[tilespmem:$0x600] =	vst v63  }
0x47: {  	_ =	swait.ge [sflag:s3], $0x400  }
0x48: {  	[sflag:s3] =	ssyncset.done $0x0  }
0x49: {  	[sflag:s3] =	ssyncadd.s32 $0xFFFFFC00  }
0x4a: {  	v1 =	vld [tilespmem:$0x0]  }
0x4b: {  	v2 =	vld [tilespmem:$0x80];
	_ =	sdelay $0x3  }
0x4c: {  	vm0 =	vgt.f32 v1, $-Inf;
	v3 =	vld [tilespmem:$0x100]  }
0x4d: {  	v1 =	vnsel vm0, $0xFF800000, v1;
	vm0 =	vlt.f32 v2, $-Inf;
	vm1 =	vgt.f32 v2, $-Inf  }
0x4e: {  	vm2 =	vgt.f32 v2, v1;
	vm0 =	vmor vm1, vm0  }
0x4f: {  	vm1 =	vmneg vm2;
	v4 =	vnsel vm0, $0xFF800000, v2;
	v5 =	vld [tilespmem:$0x180]  }
0x50: {  	v4 =	vsel vm1, v4, v1;
	vm0 =	vmand vm0, vm1;
	v1 =	vsel vm1, v1, v2  }
0x51: {  	v6 =	vsel vm2, $0x1, v0;
	v2 =	vsel vm0, $0x1, v0;
	vm0 =	vgt.f32 v3, v4  }
0x52: {  	vm1 =	vgt.f32 v3, v1;
	v4 =	vsel vm0, v3, v4;
	v2 =	vsel vm0, $0x2, v2;
	v7 =	vld [tilespmem:$0x200]  }
0x53: {  	v4 =	vsel vm1, v1, v4;
	v2 =	vsel vm1, v6, v2;
	v1 =	vsel vm1, v3, v1  }
0x54: {  	v3 =	vsel vm1, $0x2, v6;
	vm0 =	vgt.f32 v5, v4  }
0x55: {  	vm1 =	vgt.f32 v5, v1;
	v4 =	vsel vm0, v5, v4;
	v2 =	vsel vm0, $0x3, v2;
	v6 =	vld [tilespmem:$0x280]  }
0x56: {  	v4 =	vsel vm1, v1, v4;
	v2 =	vsel vm1, v3, v2;
	v1 =	vsel vm1, v5, v1  }
0x57: {  	v3 =	vsel vm1, $0x3, v3;
	vm0 =	vgt.f32 v7, v4  }
0x58: {  	vm1 =	vgt.f32 v7, v1;
	v4 =	vsel vm0, v7, v4;
	v2 =	vsel vm0, $0x4, v2;
	v5 =	vld [tilespmem:$0x300]  }
0x59: {  	v4 =	vsel vm1, v1, v4;
	v2 =	vsel vm1, v3, v2;
	v1 =	vsel vm1, v7, v1  }
0x5a: {  	v3 =	vsel vm1, $0x4, v3;
	vm0 =	vgt.f32 v6, v4  }
0x5b: {  	vm1 =	vgt.f32 v6, v1;
	v4 =	vsel vm0, v6, v4;
	v2 =	vsel vm0, $0x5, v2;
	v7 =	vld [tilespmem:$0x380]  }
0x5c: {  	v4 =	vsel vm1, v1, v4;
	v2 =	vsel vm1, v3, v2  }
0x5d: {  	v1 =	vsel vm1, v6, v1;
	vm0 =	vgt.f32 v5, v4  }
0x5e: {  	vm2 =	vgt.f32 v5, v1;
	v4 =	vsel vm0, v5, v4  }
0x5f: {  	v3 =	vsel vm1, $0x5, v3;
	v2 =	vsel vm0, $0x6, v2;
	v4 =	vsel vm2, v1, v4  }
0x60: {  	v2 =	vsel vm2, v3, v2;
	v1 =	vsel vm2, v5, v1;
	vm0 =	vgt.f32 v7, v4  }
0x61: {  	vm1 =	vgt.f32 v7, v1;
	v4 =	vsel vm0, v7, v4;
	v2 =	vsel vm0, $0x7, v2  }
0x62: {  	v3 =	vsel vm2, $0x6, v3;
	v4 =	vsel vm1, v1, v4;
	v1 =	vsel vm1, v7, v1  }
0x63: {  	v2 =	vsel vm1, v3, v2;
	v3 =	vsel vm1, $0x7, v3;
	v1 =	vsub.f32 v4, v1  }
0x64: {  	[tilespmem:$0x400] =	vst v3  }
0x65: {  	v1 =	vmul.f32 $1.442695020e+00, v1;
	[tilespmem:$0x480] =	vst v2;
	_ =	sdelay $0x1  }
0x66: {  	(erf) = vpow2.f32 v1;
	_ =	sdelay $0x8  }
0x67: {  	v1 =	vpop (erf)  }
0x68: {  	v2 =	vadd.f32 $1.000000000e+00, v1;
	_ =	sdelay $0x1  }
0x69: {  	(erf) = vrcp.f32 v2;
	_ =	sdelay $0x8  }
0x6a: {  	v2 =	vpop (erf)  }
0x6b: {  	[tilespmem:$0x500] =	vst v2;
	v1 =	vmul.f32 v2, v1;
	_ =	sdelay $0x1  }
0x6c: {  	[tilespmem:$0x580] =	vst v1  }
0x6d: {  	[hbm4b:s5+s2] =	stream.linear.scatter [tilespmem:s6], [sflag:$0x1], $0x100, $0x38;
	[tilespmem:$0x600] =	vst v63  }
0x6e: {  	_ =	swait.ge [sflag:s3], $0x100  }
.Ltmp2:
0x6f: {  	[sflag:s3] =	ssyncset.done $0x0;
	(pc) =	sbr.rel @p0 .LBB2_2-.Ltmp2, $4  }
0x70: {  	[sflag:s3] =	ssyncadd.s32 $0xFFFFFF00  }
0x71: {  	[hbm4b:s7+s2] =	stream.linear.scatter [tilespmem:s8], [sflag:$0x1], $0x100, $0x38;
	[tilespmem:$0x600] =	vst v63  }
0x72: {  	_ =	swait.ge [sflag:s3], $0x100  }
0x73: {  	[sflag:s3] =	ssyncset.done $0x0  }
.LBB2_3:
0x74: {  	[sflag:s3] =	ssyncadd.s32 $0xFFFFFF00  }
.LBB2_4:
0x75: {  	_ =	sfence.sel $0x180000  }
0x76: {  	[bflag:$0x0] =	sbarrier.arrive $0xFFFF  }
0x77: {  	p0 =	sne.s32 s1, $0x0;
	_ =	strace $0x90000047  }
0x78: {  	s0 =	sadd.s32 @!p0 $0x100000, s0;
	[bflag:$0x2] =	sbarrier.arrive $0xFFFF  }
0x79: {  	[sflag:s0] =	ssyncadd.tile.s32 @!p0 $0x1;
	_ =	shalt  }
.Lfunc_end2:
_tile_overlayer_lowered:
.L_overlay_start_2:
0x7a: {  	(tag) =	ssettag $0x2  }
0x7b: {  	s0 =	rddreg [dreg:$0x0];
	s2 =	stileid.u32  }
0x7c: {  	s1 =	rddreg [dreg:$0x1];
	p0 =	sne.s32 s2, $0x0  }
0x7d: {  	s3 =	rddreg [dreg:$0x2];
	[bflag:$0x3] =	sbarrier.arrive $0xFFFF;
	s2 =	simm.s32 @!p0 $0x1C01  }
0x7e: {  	[timem:s3], [sflag:s2] =	dma.local @!p0 [hbm:s0], s1  }
0x7f: {  	s0 =	simm.s32 @!p0 $0x1  }
0x80: {  	_ =	swait.ge @!p0 [sflag:s0], s1  }
0x81: {  	s1 =	ssub.s32 @!p0 $0x0, s1;
	[sflag:s0] =	ssyncset.done @!p0 $0x0  }
0x82: {  	[sflag:s0] =	ssyncadd.s32 @!p0 s1  }
0x83: {  	[bflag:$0x3] =	sbarrier.arrive $0xFFFF  }
0x84: {  	_ =	shalt  }

</sc_bundles>
